<compile_context>
chip_gen: v7x
topology: tpu7x:2x2x1
jax: 0.10.2.dev20260603
libtpu: 0.0.44.dev20260713+nightly
codegen_flags: <defaults>
</compile_context>

<pallas_src>
import functools

import jax
import jax.numpy as jnp
from jax import lax
from jax.experimental import pallas as pl
from jax.experimental.pallas import tpu as pltpu
from jax.experimental.pallas import tpu_sc as plsc

_NUM_TRAIN = 100000
_BIT = 64
_NCLS = 100
_B = 256
_ALPHA = 0.1

_NBLK = 4096
_NB = 25
_NPAD = _NB * _NBLK
_LOG2E = 1.4426950408889634
_LN2 = 0.6931471805599453

_NW = 32
_SEG = 3200


def _sc_build_mask(ind):
    mesh = plsc.VectorSubcoreMesh(core_axis_name="c", subcore_axis_name="s")

    @functools.partial(
        pl.kernel,
        out_type=jax.ShapeDtypeStruct((_NW * _SEG,), jnp.float32),
        mesh=mesh,
        compiler_params=pltpu.CompilerParams(needs_layout_passes=False),
        scratch_types=[
            pltpu.VMEM((_SEG,), jnp.float32),
            pltpu.VMEM((_B,), jnp.int32),
            pltpu.SemaphoreType.DMA,
        ],
    )
    def k(ind_hbm, out_hbm, seg_v, ind_v, sem):
        wid = lax.axis_index("s") * 2 + lax.axis_index("c")
        base = wid * _SEG
        lane = lax.iota(jnp.int32, 16)
        ind_cp = pltpu.async_copy(ind_hbm, ind_v, sem)
        ones = jnp.full((16,), 1.0, jnp.float32)

        def fill_plain(t, carry):
            for j in range(4):
                seg_v[pl.ds(t * 64 + j * 16, 16)] = ones
            return carry

        def fill_tail(t, carry):
            for j in range(4):
                off = t * 64 + j * 16
                pos = base + off + lane
                seg_v[pl.ds(off, 16)] = jnp.where(pos < _NUM_TRAIN, 1.0, 0.0)
            return carry

        def full_seg():
            lax.fori_loop(0, _SEG // 64, fill_plain, 0)

        def tail_seg():
            lax.fori_loop(0, _SEG // 64, fill_tail, 0)

        lax.cond(base + _SEG <= _NUM_TRAIN, full_seg, tail_seg)
        ind_cp.wait()
        zeros = jnp.zeros((16,), jnp.float32)
        for t in range(_B // 16):
            idx = ind_v[pl.ds(t * 16, 16)]
            loc = idx - base
            inb = (loc >= 0) & (loc < _SEG)
            locc = jnp.clip(loc, 0, _SEG - 1)
            plsc.store_scatter(seg_v, [locc], zeros, mask=inb)
        pltpu.sync_copy(seg_v, out_hbm.at[pl.ds(base, _SEG)])

    return k(ind)


def _loss_terms2(ip2, sd):
    return jnp.log2(1.0 + jnp.exp2(ip2)) - jnp.where(sd > 0.0, ip2, 0.0)


def _tc_body(us_ref, uT_ref, y_ref, indr_ref, indc_ref, olT_ref, UT_ref,
             YT_ref, w_ref, out_ref):
    i = pl.program_id(0)
    us = us_ref[...]
    y = y_ref[...]
    dn = (((1,), (1,)), ((), ()))
    dnk = (((1,), (0,)), ((), ()))
    bf = jnp.bfloat16
    ip2 = lax.dot_general(us.astype(bf), UT_ref[...].astype(bf), dnk,
                          preferred_element_type=jnp.float32)
    sd = lax.dot_general(y.astype(bf), YT_ref[...].astype(bf), dnk,
                         preferred_element_type=jnp.float32)
    g = jnp.log2(1.0 + jnp.exp2(ip2)) - jnp.where(sd > 0.0, ip2, 0.0)
    col = lax.broadcasted_iota(jnp.int32, (1, _NBLK), 1) + i * _NBLK
    g = jnp.where(col < _NUM_TRAIN, g, 0.0)
    rows = lax.dot_general(jnp.ones((1, _B), jnp.float32), g,
                           (((1,), (0,)), ((), ())),
                           preferred_element_type=jnp.float32)
    w = jnp.reshape(w_ref[...], (1, _NBLK))
    bsum = jnp.sum(rows * w, keepdims=True)

    @pl.when(i == 0)
    def _():
        out_ref[...] = bsum

    @pl.when(i != 0)
    def _():
        out_ref[...] += bsum

    @pl.when(i == _NB - 1)
    def _():
        uT = uT_ref[...]
        ipn2 = lax.dot_general(us, uT, dnk,
                               preferred_element_type=jnp.float32)
        sdn = lax.dot_general(y, y, dn, preferred_element_type=jnp.float32)
        gn = _loss_terms2(ipn2, sdn)
        eq = indc_ref[...] == indr_ref[...]
        ia = lax.broadcasted_iota(jnp.int32, (_B, _B), 0)
        ib = lax.broadcasted_iota(jnp.int32, (_B, _B), 1)
        dup = jnp.where(eq & (ia > ib), 1.0, 0.0)
        vf = 1.0 - jnp.max(dup, axis=0, keepdims=True)
        new_sum = jnp.sum(gn * vf, keepdims=True)
        olT = olT_ref[...]
        cr = jnp.sum(jnp.maximum(olT, 0.0) - olT * y.T
                     + jnp.log1p(jnp.exp(-jnp.abs(olT))),
                     keepdims=True) / (_B * _NCLS)
        qt = jnp.sum((uT - jnp.sign(uT)) ** 2, keepdims=True) * (
            _ALPHA / (_B * _BIT))
        lik = (out_ref[...] + new_sum) * (_LN2 / (_B * _NUM_TRAIN))
        out_ref[...] = 0.2 * (lik + qt) + 0.8 * cr


def kernel(u, y, ind, out_label, U, Y):
    w_pad = _sc_build_mask(ind)
    w3 = w_pad.reshape(_NB, 1, _NBLK)
    indf = ind.astype(jnp.float32)
    res = pl.pallas_call(
        _tc_body,
        grid=(_NB,),
        in_specs=[
            pl.BlockSpec((_B, _BIT), lambda i: (0, 0)),
            pl.BlockSpec((_BIT, _B), lambda i: (0, 0)),
            pl.BlockSpec((_B, _NCLS), lambda i: (0, 0)),
            pl.BlockSpec((1, _B), lambda i: (0, 0)),
            pl.BlockSpec((_B, 1), lambda i: (0, 0)),
            pl.BlockSpec((_NCLS, _B), lambda i: (0, 0)),
            pl.BlockSpec((_BIT, _NBLK), lambda i: (0, i)),
            pl.BlockSpec((_NCLS, _NBLK), lambda i: (0, i)),
            pl.BlockSpec((1, 1, _NBLK), lambda i: (i, 0, 0)),
        ],
        out_specs=pl.BlockSpec((1, 1), lambda i: (0, 0)),
        out_shape=jax.ShapeDtypeStruct((1, 1), jnp.float32),
        compiler_params=pltpu.CompilerParams(
            dimension_semantics=("arbitrary",)),
    )(u * (0.5 * _LOG2E), u.T, y, indf.reshape(1, _B),
      indf.reshape(_B, 1), out_label.T, U.T, Y.T, w3)
    return res[0, 0]

# --- scband reference (transcript-rebuilt; emitter-appended) ---
"""Pipeline reference for scband-dpshloss-52767968198866 (READ-ONLY COPY).

The authoritative reference and input builder live on the scoring server;
editing this copy changes nothing except your own understanding.
"""

import jax, jax.numpy as jnp
import numpy as np

NUM_TRAIN = 100000
BIT = 64
N_CLASS = 100
BATCH = 256
ALPHA = 0.1


def setup_inputs(seed: int = 0) -> dict:
    key = jax.random.key(seed)
    k1, k2, k3, k4, k5, k6 = jax.random.split(key, 6)
    u = jax.random.normal(k1, (BATCH, BIT), dtype=jnp.float32)
    y = jax.random.randint(k2, (BATCH, N_CLASS), 0, 2).astype(jnp.float32)
    ind = jax.random.randint(k3, (BATCH,), 0, NUM_TRAIN, dtype=jnp.int32)
    out_label = jax.random.normal(k4, (BATCH, N_CLASS), dtype=jnp.float32)
    # persistent state buffers (mid-training contents; torch inits zeros then fills over epochs)
    U = jax.random.normal(k5, (NUM_TRAIN, BIT), dtype=jnp.float32)
    Y = jax.random.randint(k6, (NUM_TRAIN, N_CLASS), 0, 2).astype(jnp.float32)
    return {"u": u, "y": y, "ind": ind, "out_label": out_label, "U": U, "Y": Y}


def reference(u, y, ind, out_label, U, Y):
    # get_sigmoid_ce: Sigmoid + BCELoss == stable BCE-with-logits, mean over elements
    cr_loss = jnp.mean(jnp.maximum(out_label, 0.0) - out_label * y + jnp.log1p(jnp.exp(-jnp.abs(out_label))))
    # scatter-overwrite into memory buffers (torch: self.U[ind,:]=u.data ; self.Y[ind,:]=y)
    U2 = U.at[ind].set(u)
    Y2 = Y.at[ind].set(y)
    s = (y @ Y2.T > 0).astype(jnp.float32)
    inner_product = (u @ U2.T) * 0.5
    likelihood_loss = jnp.log1p(jnp.exp(-jnp.abs(inner_product))) + jnp.maximum(inner_product, 0.0) - s * inner_product
    likelihood_loss = jnp.mean(likelihood_loss)
    quantization_loss = ALPHA * jnp.mean((u - jnp.sign(u)) ** 2)
    dploss = likelihood_loss + quantization_loss
    sum_loss = 0.2 * dploss + 0.8 * cr_loss
    return sum_loss

if __name__ == "__main__":
    import jax
    _d = setup_inputs()
    print(jax.jit(kernel)(*tuple(_d.values())))

</pallas_src>

<mosaic_0001>
#map = affine_map<(d0, d1) -> (0)>
module attributes {stable_mosaic.version = 14 : i64} {
  func.func @k(%arg0: i32, %arg1: i32, %arg2: memref<256xi32, #tpu.memory_space<hbm>>, %arg3: memref<102400xf32, #tpu.memory_space<hbm>>, %arg4: memref<3200xf32, #tpu.memory_space<vmem>>, %arg5: memref<256xi32, #tpu.memory_space<vmem>>, %arg6: memref<!tpu.dma_semaphore, #tpu.memory_space<semaphore_mem>>) attributes {dimension_semantics = [#tpu.dimension_semantics<core_parallel>, #tpu.dimension_semantics<subcore_parallel>], iteration_bounds = array<i64: 2, 16>, scalar_prefetch = 0 : i64, scratch_operands = 3 : i64, tpu.core_type = #tpu.core_type<sc_vector_subcore>, window_params = [{transform_indices = #map}, {transform_indices = #map}]} {
    %mul3A = arith.constant 2 : i32
    %mul3A_0 = arith.muli %arg1, %mul3A : i32
    %add3A = arith.addi %mul3A_0, %arg0 : i32
    %mul3A_1 = arith.constant 3200 : i32
    %mul3A_2 = arith.muli %add3A, %mul3A_1 : i32
    %iota3A = tpu.iota {dimensions = array<i32: 0>} : vector<16xi32>
    tpu.enqueue_dma source(%arg2 : memref<256xi32, #tpu.memory_space<hbm>>) target(%arg5 : memref<256xi32, #tpu.memory_space<vmem>>) target_semaphore(%arg6 : memref<!tpu.dma_semaphore, #tpu.memory_space<semaphore_mem>>)
    %broadcast_in_dim3A = arith.constant 1.000000e+00 : f32
    %broadcast_in_dim3A_3 = vector.broadcast %broadcast_in_dim3A : f32 to vector<16xf32>
    %add3A_4 = arith.constant 3200 : i32
    %add3A_5 = arith.addi %mul3A_2, %add3A_4 : i32
    %le3A = arith.constant 100000 : i32
    %le3A_6 = arith.cmpi sle, %add3A_5, %le3A : i32
    %convert_element_type3A = arith.extui %le3A_6 : i1 to i32
    %cond3A = arith.constant 0 : i32
    %cond3A_7 = arith.cmpi ne, %convert_element_type3A, %cond3A : i32
    scf.if %cond3A_7 {
      %scan3A = arith.constant 0 : i32
      %scan3A_274 = arith.constant 0 : i32
      %scan3A_275 = arith.constant 50 : i32
      %scan3A_276 = arith.addi %scan3A_274, %scan3A_275 : i32
      %scan3A_277 = arith.constant 1 : i32
      scf.for %scan3A_279 = %scan3A_274 to %scan3A_276 step %scan3A_277  : i32 {
        %mul3A_280 = arith.constant 64 : i32
        %mul3A_281 = arith.muli %scan3A_279, %mul3A_280 : i32
        %add3A_282 = arith.constant 0 : i32
        %add3A_283 = arith.addi %mul3A_281, %add3A_282 : i32
        %swap3A = arith.index_cast %add3A_283 : i32 to index
        %swap3A_284 = tpu.vector_load %arg4[%swap3A] {strides = array<i32>} : memref<3200xf32, #tpu.memory_space<vmem>>, vector<16xf32>,
        tpu.vector_store %arg4[%swap3A], %broadcast_in_dim3A_3 {strides = array<i32>} : memref<3200xf32, #tpu.memory_space<vmem>>, vector<16xf32>,
        %mul3A_285 = arith.constant 64 : i32
        %mul3A_286 = arith.muli %scan3A_279, %mul3A_285 : i32
        %add3A_287 = arith.constant 16 : i32
        %add3A_288 = arith.addi %mul3A_286, %add3A_287 : i32
        %swap3A_289 = arith.index_cast %add3A_288 : i32 to index
        %swap3A_290 = tpu.vector_load %arg4[%swap3A_289] {strides = array<i32>} : memref<3200xf32, #tpu.memory_space<vmem>>, vector<16xf32>,
        tpu.vector_store %arg4[%swap3A_289], %broadcast_in_dim3A_3 {strides = array<i32>} : memref<3200xf32, #tpu.memory_space<vmem>>, vector<16xf32>,
        %mul3A_291 = arith.constant 64 : i32
        %mul3A_292 = arith.muli %scan3A_279, %mul3A_291 : i32
        %add3A_293 = arith.constant 32 : i32
        %add3A_294 = arith.addi %mul3A_292, %add3A_293 : i32
        %swap3A_295 = arith.index_cast %add3A_294 : i32 to index
        %swap3A_296 = tpu.vector_load %arg4[%swap3A_295] {strides = array<i32>} : memref<3200xf32, #tpu.memory_space<vmem>>, vector<16xf32>,
        tpu.vector_store %arg4[%swap3A_295], %broadcast_in_dim3A_3 {strides = array<i32>} : memref<3200xf32, #tpu.memory_space<vmem>>, vector<16xf32>,
        %mul3A_297 = arith.constant 64 : i32
        %mul3A_298 = arith.muli %scan3A_279, %mul3A_297 : i32
        %add3A_299 = arith.constant 48 : i32
        %add3A_300 = arith.addi %mul3A_298, %add3A_299 : i32
        %swap3A_301 = arith.index_cast %add3A_300 : i32 to index
        %swap3A_302 = tpu.vector_load %arg4[%swap3A_301] {strides = array<i32>} : memref<3200xf32, #tpu.memory_space<vmem>>, vector<16xf32>,
        tpu.vector_store %arg4[%swap3A_301], %broadcast_in_dim3A_3 {strides = array<i32>} : memref<3200xf32, #tpu.memory_space<vmem>>, vector<16xf32>,
      }
      %scan3A_278 = arith.constant 50 : i32
    } else {
      %scan3A = arith.constant 0 : i32
      %scan3A_274 = arith.constant 0 : i32
      %scan3A_275 = arith.constant 50 : i32
      %scan3A_276 = arith.addi %scan3A_274, %scan3A_275 : i32
      %scan3A_277 = arith.constant 1 : i32
      scf.for %scan3A_279 = %scan3A_274 to %scan3A_276 step %scan3A_277  : i32 {
        %mul3A_280 = arith.constant 64 : i32
        %mul3A_281 = arith.muli %scan3A_279, %mul3A_280 : i32
        %add3A_282 = arith.constant 0 : i32
        %add3A_283 = arith.addi %mul3A_281, %add3A_282 : i32
        %add3A_284 = arith.addi %mul3A_2, %add3A_283 : i32
        %add3A_285 = vector.broadcast %add3A_284 : i32 to vector<16xi32>
        %add3A_286 = arith.addi %add3A_285, %iota3A : vector<16xi32>
        %lt3A_287 = arith.constant 100000 : i32
        %lt3A_288 = vector.broadcast %lt3A_287 : i32 to vector<16xi32>
        %lt3A_289 = arith.cmpi slt, %add3A_286, %lt3A_288 : vector<16xi32>
        %jit3A_290 = arith.constant 1.000000e+00 : f32
        %jit3A_291 = arith.constant 0.000000e+00 : f32
        %broadcast_in_dim3A_292 = vector.broadcast %jit3A_290 : f32 to vector<16xf32>
        %broadcast_in_dim3A_293 = vector.broadcast %jit3A_291 : f32 to vector<16xf32>
        %select_n3A = arith.select %lt3A_289, %broadcast_in_dim3A_292, %broadcast_in_dim3A_293 : vector<16xi1>, vector<16xf32>
        %swap3A = arith.index_cast %add3A_283 : i32 to index
        %swap3A_294 = tpu.vector_load %arg4[%swap3A] {strides = array<i32>} : memref<3200xf32, #tpu.memory_space<vmem>>, vector<16xf32>,
        tpu.vector_store %arg4[%swap3A], %select_n3A {strides = array<i32>} : memref<3200xf32, #tpu.memory_space<vmem>>, vector<16xf32>,
        %mul3A_295 = arith.constant 64 : i32
        %mul3A_296 = arith.muli %scan3A_279, %mul3A_295 : i32
        %add3A_297 = arith.constant 16 : i32
        %add3A_298 = arith.addi %mul3A_296, %add3A_297 : i32
        %add3A_299 = arith.addi %mul3A_2, %add3A_298 : i32
        %add3A_300 = vector.broadcast %add3A_299 : i32 to vector<16xi32>
        %add3A_301 = arith.addi %add3A_300, %iota3A : vector<16xi32>
        %lt3A_302 = arith.constant 100000 : i32
        %lt3A_303 = vector.broadcast %lt3A_302 : i32 to vector<16xi32>
        %lt3A_304 = arith.cmpi slt, %add3A_301, %lt3A_303 : vector<16xi32>
        %jit3A_305 = arith.constant 1.000000e+00 : f32
        %jit3A_306 = arith.constant 0.000000e+00 : f32
        %broadcast_in_dim3A_307 = vector.broadcast %jit3A_305 : f32 to vector<16xf32>
        %broadcast_in_dim3A_308 = vector.broadcast %jit3A_306 : f32 to vector<16xf32>
        %select_n3A_309 = arith.select %lt3A_304, %broadcast_in_dim3A_307, %broadcast_in_dim3A_308 : vector<16xi1>, vector<16xf32>
        %swap3A_310 = arith.index_cast %add3A_298 : i32 to index
        %swap3A_311 = tpu.vector_load %arg4[%swap3A_310] {strides = array<i32>} : memref<3200xf32, #tpu.memory_space<vmem>>, vector<16xf32>,
        tpu.vector_store %arg4[%swap3A_310], %select_n3A_309 {strides = array<i32>} : memref<3200xf32, #tpu.memory_space<vmem>>, vector<16xf32>,
        %mul3A_312 = arith.constant 64 : i32
        %mul3A_313 = arith.muli %scan3A_279, %mul3A_312 : i32
        %add3A_314 = arith.constant 32 : i32
        %add3A_315 = arith.addi %mul3A_313, %add3A_314 : i32
        %add3A_316 = arith.addi %mul3A_2, %add3A_315 : i32
        %add3A_317 = vector.broadcast %add3A_316 : i32 to vector<16xi32>
        %add3A_318 = arith.addi %add3A_317, %iota3A : vector<16xi32>
        %lt3A_319 = arith.constant 100000 : i32
        %lt3A_320 = vector.broadcast %lt3A_319 : i32 to vector<16xi32>
        %lt3A_321 = arith.cmpi slt, %add3A_318, %lt3A_320 : vector<16xi32>
        %jit3A_322 = arith.constant 1.000000e+00 : f32
        %jit3A_323 = arith.constant 0.000000e+00 : f32
        %broadcast_in_dim3A_324 = vector.broadcast %jit3A_322 : f32 to vector<16xf32>
        %broadcast_in_dim3A_325 = vector.broadcast %jit3A_323 : f32 to vector<16xf32>
        %select_n3A_326 = arith.select %lt3A_321, %broadcast_in_dim3A_324, %broadcast_in_dim3A_325 : vector<16xi1>, vector<16xf32>
        %swap3A_327 = arith.index_cast %add3A_315 : i32 to index
        %swap3A_328 = tpu.vector_load %arg4[%swap3A_327] {strides = array<i32>} : memref<3200xf32, #tpu.memory_space<vmem>>, vector<16xf32>,
        tpu.vector_store %arg4[%swap3A_327], %select_n3A_326 {strides = array<i32>} : memref<3200xf32, #tpu.memory_space<vmem>>, vector<16xf32>,
        %mul3A_329 = arith.constant 64 : i32
        %mul3A_330 = arith.muli %scan3A_279, %mul3A_329 : i32
        %add3A_331 = arith.constant 48 : i32
        %add3A_332 = arith.addi %mul3A_330, %add3A_331 : i32
        %add3A_333 = arith.addi %mul3A_2, %add3A_332 : i32
        %add3A_334 = vector.broadcast %add3A_333 : i32 to vector<16xi32>
        %add3A_335 = arith.addi %add3A_334, %iota3A : vector<16xi32>
        %lt3A_336 = arith.constant 100000 : i32
        %lt3A_337 = vector.broadcast %lt3A_336 : i32 to vector<16xi32>
        %lt3A_338 = arith.cmpi slt, %add3A_335, %lt3A_337 : vector<16xi32>
        %jit3A_339 = arith.constant 1.000000e+00 : f32
        %jit3A_340 = arith.constant 0.000000e+00 : f32
        %broadcast_in_dim3A_341 = vector.broadcast %jit3A_339 : f32 to vector<16xf32>
        %broadcast_in_dim3A_342 = vector.broadcast %jit3A_340 : f32 to vector<16xf32>
        %select_n3A_343 = arith.select %lt3A_338, %broadcast_in_dim3A_341, %broadcast_in_dim3A_342 : vector<16xi1>, vector<16xf32>
        %swap3A_344 = arith.index_cast %add3A_332 : i32 to index
        %swap3A_345 = tpu.vector_load %arg4[%swap3A_344] {strides = array<i32>} : memref<3200xf32, #tpu.memory_space<vmem>>, vector<16xf32>,
        tpu.vector_store %arg4[%swap3A_344], %select_n3A_343 {strides = array<i32>} : memref<3200xf32, #tpu.memory_space<vmem>>, vector<16xf32>,
      }
      %scan3A_278 = arith.constant 50 : i32
    }
    tpu.wait_dma2 semaphore(%arg6 : memref<!tpu.dma_semaphore, #tpu.memory_space<semaphore_mem>>) src(%arg2 : memref<256xi32, #tpu.memory_space<hbm>>) dst(%arg5 : memref<256xi32, #tpu.memory_space<vmem>>)
    %broadcast_in_dim3A_8 = arith.constant 0.000000e+00 : f32
    %broadcast_in_dim3A_9 = vector.broadcast %broadcast_in_dim3A_8 : f32 to vector<16xf32>
    %get3A = arith.constant 0 : index
    %get3A_10 = tpu.vector_load %arg5[%get3A] {strides = array<i32>} : memref<256xi32, #tpu.memory_space<vmem>>, vector<16xi32>,
    %sub3A = vector.broadcast %mul3A_2 : i32 to vector<16xi32>
    %sub3A_11 = arith.subi %get3A_10, %sub3A : vector<16xi32>
    %ge3A = arith.constant 0 : i32
    %ge3A_12 = vector.broadcast %ge3A : i32 to vector<16xi32>
    %ge3A_13 = arith.cmpi sge, %sub3A_11, %ge3A_12 : vector<16xi32>
    %lt3A = arith.constant 3200 : i32
    %lt3A_14 = vector.broadcast %lt3A : i32 to vector<16xi32>
    %lt3A_15 = arith.cmpi slt, %sub3A_11, %lt3A_14 : vector<16xi32>
    %and3A = arith.andi %ge3A_13, %lt3A_15 : vector<16xi1>
    %jit3A = arith.constant 0 : i32
    %jit3A_16 = arith.constant 3199 : i32
    %max3A = vector.broadcast %jit3A : i32 to vector<16xi32>
    %max3A_17 = arith.maxsi %max3A, %sub3A_11 : vector<16xi32>
    %min3A = vector.broadcast %jit3A_16 : i32 to vector<16xi32>
    %min3A_18 = arith.minsi %min3A, %max3A_17 : vector<16xi32>
    tpu.vector_store_idx %arg4[%min3A_18], %broadcast_in_dim3A_9 masked %and3A : memref<3200xf32, #tpu.memory_space<vmem>>[vector<16xi32>], vector<16xf32>, vector<16xi1>
    %get3A_19 = arith.constant 16 : index
    %get3A_20 = tpu.vector_load %arg5[%get3A_19] {strides = array<i32>} : memref<256xi32, #tpu.memory_space<vmem>>, vector<16xi32>,
    %sub3A_21 = vector.broadcast %mul3A_2 : i32 to vector<16xi32>
    %sub3A_22 = arith.subi %get3A_20, %sub3A_21 : vector<16xi32>
    %ge3A_23 = arith.constant 0 : i32
    %ge3A_24 = vector.broadcast %ge3A_23 : i32 to vector<16xi32>
    %ge3A_25 = arith.cmpi sge, %sub3A_22, %ge3A_24 : vector<16xi32>
    %lt3A_26 = arith.constant 3200 : i32
    %lt3A_27 = vector.broadcast %lt3A_26 : i32 to vector<16xi32>
    %lt3A_28 = arith.cmpi slt, %sub3A_22, %lt3A_27 : vector<16xi32>
    %and3A_29 = arith.andi %ge3A_25, %lt3A_28 : vector<16xi1>
    %jit3A_30 = arith.constant 0 : i32
    %jit3A_31 = arith.constant 3199 : i32
    %max3A_32 = vector.broadcast %jit3A_30 : i32 to vector<16xi32>
    %max3A_33 = arith.maxsi %max3A_32, %sub3A_22 : vector<16xi32>
    %min3A_34 = vector.broadcast %jit3A_31 : i32 to vector<16xi32>
    %min3A_35 = arith.minsi %min3A_34, %max3A_33 : vector<16xi32>
    tpu.vector_store_idx %arg4[%min3A_35], %broadcast_in_dim3A_9 masked %and3A_29 : memref<3200xf32, #tpu.memory_space<vmem>>[vector<16xi32>], vector<16xf32>, vector<16xi1>
    %get3A_36 = arith.constant 32 : index
    %get3A_37 = tpu.vector_load %arg5[%get3A_36] {strides = array<i32>} : memref<256xi32, #tpu.memory_space<vmem>>, vector<16xi32>,
    %sub3A_38 = vector.broadcast %mul3A_2 : i32 to vector<16xi32>
    %sub3A_39 = arith.subi %get3A_37, %sub3A_38 : vector<16xi32>
    %ge3A_40 = arith.constant 0 : i32
    %ge3A_41 = vector.broadcast %ge3A_40 : i32 to vector<16xi32>
    %ge3A_42 = arith.cmpi sge, %sub3A_39, %ge3A_41 : vector<16xi32>
    %lt3A_43 = arith.constant 3200 : i32
    %lt3A_44 = vector.broadcast %lt3A_43 : i32 to vector<16xi32>
    %lt3A_45 = arith.cmpi slt, %sub3A_39, %lt3A_44 : vector<16xi32>
    %and3A_46 = arith.andi %ge3A_42, %lt3A_45 : vector<16xi1>
    %jit3A_47 = arith.constant 0 : i32
    %jit3A_48 = arith.constant 3199 : i32
    %max3A_49 = vector.broadcast %jit3A_47 : i32 to vector<16xi32>
    %max3A_50 = arith.maxsi %max3A_49, %sub3A_39 : vector<16xi32>
    %min3A_51 = vector.broadcast %jit3A_48 : i32 to vector<16xi32>
    %min3A_52 = arith.minsi %min3A_51, %max3A_50 : vector<16xi32>
    tpu.vector_store_idx %arg4[%min3A_52], %broadcast_in_dim3A_9 masked %and3A_46 : memref<3200xf32, #tpu.memory_space<vmem>>[vector<16xi32>], vector<16xf32>, vector<16xi1>
    %get3A_53 = arith.constant 48 : index
    %get3A_54 = tpu.vector_load %arg5[%get3A_53] {strides = array<i32>} : memref<256xi32, #tpu.memory_space<vmem>>, vector<16xi32>,
    %sub3A_55 = vector.broadcast %mul3A_2 : i32 to vector<16xi32>
    %sub3A_56 = arith.subi %get3A_54, %sub3A_55 : vector<16xi32>
    %ge3A_57 = arith.constant 0 : i32
    %ge3A_58 = vector.broadcast %ge3A_57 : i32 to vector<16xi32>
    %ge3A_59 = arith.cmpi sge, %sub3A_56, %ge3A_58 : vector<16xi32>
    %lt3A_60 = arith.constant 3200 : i32
    %lt3A_61 = vector.broadcast %lt3A_60 : i32 to vector<16xi32>
    %lt3A_62 = arith.cmpi slt, %sub3A_56, %lt3A_61 : vector<16xi32>
    %and3A_63 = arith.andi %ge3A_59, %lt3A_62 : vector<16xi1>
    %jit3A_64 = arith.constant 0 : i32
    %jit3A_65 = arith.constant 3199 : i32
    %max3A_66 = vector.broadcast %jit3A_64 : i32 to vector<16xi32>
    %max3A_67 = arith.maxsi %max3A_66, %sub3A_56 : vector<16xi32>
    %min3A_68 = vector.broadcast %jit3A_65 : i32 to vector<16xi32>
    %min3A_69 = arith.minsi %min3A_68, %max3A_67 : vector<16xi32>
    tpu.vector_store_idx %arg4[%min3A_69], %broadcast_in_dim3A_9 masked %and3A_63 : memref<3200xf32, #tpu.memory_space<vmem>>[vector<16xi32>], vector<16xf32>, vector<16xi1>
    %get3A_70 = arith.constant 64 : index
    %get3A_71 = tpu.vector_load %arg5[%get3A_70] {strides = array<i32>} : memref<256xi32, #tpu.memory_space<vmem>>, vector<16xi32>,
    %sub3A_72 = vector.broadcast %mul3A_2 : i32 to vector<16xi32>
    %sub3A_73 = arith.subi %get3A_71, %sub3A_72 : vector<16xi32>
    %ge3A_74 = arith.constant 0 : i32
    %ge3A_75 = vector.broadcast %ge3A_74 : i32 to vector<16xi32>
    %ge3A_76 = arith.cmpi sge, %sub3A_73, %ge3A_75 : vector<16xi32>
    %lt3A_77 = arith.constant 3200 : i32
    %lt3A_78 = vector.broadcast %lt3A_77 : i32 to vector<16xi32>
    %lt3A_79 = arith.cmpi slt, %sub3A_73, %lt3A_78 : vector<16xi32>
    %and3A_80 = arith.andi %ge3A_76, %lt3A_79 : vector<16xi1>
    %jit3A_81 = arith.constant 0 : i32
    %jit3A_82 = arith.constant 3199 : i32
    %max3A_83 = vector.broadcast %jit3A_81 : i32 to vector<16xi32>
    %max3A_84 = arith.maxsi %max3A_83, %sub3A_73 : vector<16xi32>
    %min3A_85 = vector.broadcast %jit3A_82 : i32 to vector<16xi32>
    %min3A_86 = arith.minsi %min3A_85, %max3A_84 : vector<16xi32>
    tpu.vector_store_idx %arg4[%min3A_86], %broadcast_in_dim3A_9 masked %and3A_80 : memref<3200xf32, #tpu.memory_space<vmem>>[vector<16xi32>], vector<16xf32>, vector<16xi1>
    %get3A_87 = arith.constant 80 : index
    %get3A_88 = tpu.vector_load %arg5[%get3A_87] {strides = array<i32>} : memref<256xi32, #tpu.memory_space<vmem>>, vector<16xi32>,
    %sub3A_89 = vector.broadcast %mul3A_2 : i32 to vector<16xi32>
    %sub3A_90 = arith.subi %get3A_88, %sub3A_89 : vector<16xi32>
    %ge3A_91 = arith.constant 0 : i32
    %ge3A_92 = vector.broadcast %ge3A_91 : i32 to vector<16xi32>
    %ge3A_93 = arith.cmpi sge, %sub3A_90, %ge3A_92 : vector<16xi32>
    %lt3A_94 = arith.constant 3200 : i32
    %lt3A_95 = vector.broadcast %lt3A_94 : i32 to vector<16xi32>
    %lt3A_96 = arith.cmpi slt, %sub3A_90, %lt3A_95 : vector<16xi32>
    %and3A_97 = arith.andi %ge3A_93, %lt3A_96 : vector<16xi1>
    %jit3A_98 = arith.constant 0 : i32
    %jit3A_99 = arith.constant 3199 : i32
    %max3A_100 = vector.broadcast %jit3A_98 : i32 to vector<16xi32>
    %max3A_101 = arith.maxsi %max3A_100, %sub3A_90 : vector<16xi32>
    %min3A_102 = vector.broadcast %jit3A_99 : i32 to vector<16xi32>
    %min3A_103 = arith.minsi %min3A_102, %max3A_101 : vector<16xi32>
    tpu.vector_store_idx %arg4[%min3A_103], %broadcast_in_dim3A_9 masked %and3A_97 : memref<3200xf32, #tpu.memory_space<vmem>>[vector<16xi32>], vector<16xf32>, vector<16xi1>
    %get3A_104 = arith.constant 96 : index
    %get3A_105 = tpu.vector_load %arg5[%get3A_104] {strides = array<i32>} : memref<256xi32, #tpu.memory_space<vmem>>, vector<16xi32>,
    %sub3A_106 = vector.broadcast %mul3A_2 : i32 to vector<16xi32>
    %sub3A_107 = arith.subi %get3A_105, %sub3A_106 : vector<16xi32>
    %ge3A_108 = arith.constant 0 : i32
    %ge3A_109 = vector.broadcast %ge3A_108 : i32 to vector<16xi32>
    %ge3A_110 = arith.cmpi sge, %sub3A_107, %ge3A_109 : vector<16xi32>
    %lt3A_111 = arith.constant 3200 : i32
    %lt3A_112 = vector.broadcast %lt3A_111 : i32 to vector<16xi32>
    %lt3A_113 = arith.cmpi slt, %sub3A_107, %lt3A_112 : vector<16xi32>
    %and3A_114 = arith.andi %ge3A_110, %lt3A_113 : vector<16xi1>
    %jit3A_115 = arith.constant 0 : i32
    %jit3A_116 = arith.constant 3199 : i32
    %max3A_117 = vector.broadcast %jit3A_115 : i32 to vector<16xi32>
    %max3A_118 = arith.maxsi %max3A_117, %sub3A_107 : vector<16xi32>
    %min3A_119 = vector.broadcast %jit3A_116 : i32 to vector<16xi32>
    %min3A_120 = arith.minsi %min3A_119, %max3A_118 : vector<16xi32>
    tpu.vector_store_idx %arg4[%min3A_120], %broadcast_in_dim3A_9 masked %and3A_114 : memref<3200xf32, #tpu.memory_space<vmem>>[vector<16xi32>], vector<16xf32>, vector<16xi1>
    %get3A_121 = arith.constant 112 : index
    %get3A_122 = tpu.vector_load %arg5[%get3A_121] {strides = array<i32>} : memref<256xi32, #tpu.memory_space<vmem>>, vector<16xi32>,
    %sub3A_123 = vector.broadcast %mul3A_2 : i32 to vector<16xi32>
    %sub3A_124 = arith.subi %get3A_122, %sub3A_123 : vector<16xi32>
    %ge3A_125 = arith.constant 0 : i32
    %ge3A_126 = vector.broadcast %ge3A_125 : i32 to vector<16xi32>
    %ge3A_127 = arith.cmpi sge, %sub3A_124, %ge3A_126 : vector<16xi32>
    %lt3A_128 = arith.constant 3200 : i32
    %lt3A_129 = vector.broadcast %lt3A_128 : i32 to vector<16xi32>
    %lt3A_130 = arith.cmpi slt, %sub3A_124, %lt3A_129 : vector<16xi32>
    %and3A_131 = arith.andi %ge3A_127, %lt3A_130 : vector<16xi1>
    %jit3A_132 = arith.constant 0 : i32
    %jit3A_133 = arith.constant 3199 : i32
    %max3A_134 = vector.broadcast %jit3A_132 : i32 to vector<16xi32>
    %max3A_135 = arith.maxsi %max3A_134, %sub3A_124 : vector<16xi32>
    %min3A_136 = vector.broadcast %jit3A_133 : i32 to vector<16xi32>
    %min3A_137 = arith.minsi %min3A_136, %max3A_135 : vector<16xi32>
    tpu.vector_store_idx %arg4[%min3A_137], %broadcast_in_dim3A_9 masked %and3A_131 : memref<3200xf32, #tpu.memory_space<vmem>>[vector<16xi32>], vector<16xf32>, vector<16xi1>
    %get3A_138 = arith.constant 128 : index
    %get3A_139 = tpu.vector_load %arg5[%get3A_138] {strides = array<i32>} : memref<256xi32, #tpu.memory_space<vmem>>, vector<16xi32>,
    %sub3A_140 = vector.broadcast %mul3A_2 : i32 to vector<16xi32>
    %sub3A_141 = arith.subi %get3A_139, %sub3A_140 : vector<16xi32>
    %ge3A_142 = arith.constant 0 : i32
    %ge3A_143 = vector.broadcast %ge3A_142 : i32 to vector<16xi32>
    %ge3A_144 = arith.cmpi sge, %sub3A_141, %ge3A_143 : vector<16xi32>
    %lt3A_145 = arith.constant 3200 : i32
    %lt3A_146 = vector.broadcast %lt3A_145 : i32 to vector<16xi32>
    %lt3A_147 = arith.cmpi slt, %sub3A_141, %lt3A_146 : vector<16xi32>
    %and3A_148 = arith.andi %ge3A_144, %lt3A_147 : vector<16xi1>
    %jit3A_149 = arith.constant 0 : i32
    %jit3A_150 = arith.constant 3199 : i32
    %max3A_151 = vector.broadcast %jit3A_149 : i32 to vector<16xi32>
    %max3A_152 = arith.maxsi %max3A_151, %sub3A_141 : vector<16xi32>
    %min3A_153 = vector.broadcast %jit3A_150 : i32 to vector<16xi32>
    %min3A_154 = arith.minsi %min3A_153, %max3A_152 : vector<16xi32>
    tpu.vector_store_idx %arg4[%min3A_154], %broadcast_in_dim3A_9 masked %and3A_148 : memref<3200xf32, #tpu.memory_space<vmem>>[vector<16xi32>], vector<16xf32>, vector<16xi1>
    %get3A_155 = arith.constant 144 : index
    %get3A_156 = tpu.vector_load %arg5[%get3A_155] {strides = array<i32>} : memref<256xi32, #tpu.memory_space<vmem>>, vector<16xi32>,
    %sub3A_157 = vector.broadcast %mul3A_2 : i32 to vector<16xi32>
    %sub3A_158 = arith.subi %get3A_156, %sub3A_157 : vector<16xi32>
    %ge3A_159 = arith.constant 0 : i32
    %ge3A_160 = vector.broadcast %ge3A_159 : i32 to vector<16xi32>
    %ge3A_161 = arith.cmpi sge, %sub3A_158, %ge3A_160 : vector<16xi32>
    %lt3A_162 = arith.constant 3200 : i32
    %lt3A_163 = vector.broadcast %lt3A_162 : i32 to vector<16xi32>
    %lt3A_164 = arith.cmpi slt, %sub3A_158, %lt3A_163 : vector<16xi32>
    %and3A_165 = arith.andi %ge3A_161, %lt3A_164 : vector<16xi1>
    %jit3A_166 = arith.constant 0 : i32
    %jit3A_167 = arith.constant 3199 : i32
    %max3A_168 = vector.broadcast %jit3A_166 : i32 to vector<16xi32>
    %max3A_169 = arith.maxsi %max3A_168, %sub3A_158 : vector<16xi32>
    %min3A_170 = vector.broadcast %jit3A_167 : i32 to vector<16xi32>
    %min3A_171 = arith.minsi %min3A_170, %max3A_169 : vector<16xi32>
    tpu.vector_store_idx %arg4[%min3A_171], %broadcast_in_dim3A_9 masked %and3A_165 : memref<3200xf32, #tpu.memory_space<vmem>>[vector<16xi32>], vector<16xf32>, vector<16xi1>
    %get3A_172 = arith.constant 160 : index
    %get3A_173 = tpu.vector_load %arg5[%get3A_172] {strides = array<i32>} : memref<256xi32, #tpu.memory_space<vmem>>, vector<16xi32>,
    %sub3A_174 = vector.broadcast %mul3A_2 : i32 to vector<16xi32>
    %sub3A_175 = arith.subi %get3A_173, %sub3A_174 : vector<16xi32>
    %ge3A_176 = arith.constant 0 : i32
    %ge3A_177 = vector.broadcast %ge3A_176 : i32 to vector<16xi32>
    %ge3A_178 = arith.cmpi sge, %sub3A_175, %ge3A_177 : vector<16xi32>
    %lt3A_179 = arith.constant 3200 : i32
    %lt3A_180 = vector.broadcast %lt3A_179 : i32 to vector<16xi32>
    %lt3A_181 = arith.cmpi slt, %sub3A_175, %lt3A_180 : vector<16xi32>
    %and3A_182 = arith.andi %ge3A_178, %lt3A_181 : vector<16xi1>
    %jit3A_183 = arith.constant 0 : i32
    %jit3A_184 = arith.constant 3199 : i32
    %max3A_185 = vector.broadcast %jit3A_183 : i32 to vector<16xi32>
    %max3A_186 = arith.maxsi %max3A_185, %sub3A_175 : vector<16xi32>
    %min3A_187 = vector.broadcast %jit3A_184 : i32 to vector<16xi32>
    %min3A_188 = arith.minsi %min3A_187, %max3A_186 : vector<16xi32>
    tpu.vector_store_idx %arg4[%min3A_188], %broadcast_in_dim3A_9 masked %and3A_182 : memref<3200xf32, #tpu.memory_space<vmem>>[vector<16xi32>], vector<16xf32>, vector<16xi1>
    %get3A_189 = arith.constant 176 : index
    %get3A_190 = tpu.vector_load %arg5[%get3A_189] {strides = array<i32>} : memref<256xi32, #tpu.memory_space<vmem>>, vector<16xi32>,
    %sub3A_191 = vector.broadcast %mul3A_2 : i32 to vector<16xi32>
    %sub3A_192 = arith.subi %get3A_190, %sub3A_191 : vector<16xi32>
    %ge3A_193 = arith.constant 0 : i32
    %ge3A_194 = vector.broadcast %ge3A_193 : i32 to vector<16xi32>
    %ge3A_195 = arith.cmpi sge, %sub3A_192, %ge3A_194 : vector<16xi32>
    %lt3A_196 = arith.constant 3200 : i32
    %lt3A_197 = vector.broadcast %lt3A_196 : i32 to vector<16xi32>
    %lt3A_198 = arith.cmpi slt, %sub3A_192, %lt3A_197 : vector<16xi32>
    %and3A_199 = arith.andi %ge3A_195, %lt3A_198 : vector<16xi1>
    %jit3A_200 = arith.constant 0 : i32
    %jit3A_201 = arith.constant 3199 : i32
    %max3A_202 = vector.broadcast %jit3A_200 : i32 to vector<16xi32>
    %max3A_203 = arith.maxsi %max3A_202, %sub3A_192 : vector<16xi32>
    %min3A_204 = vector.broadcast %jit3A_201 : i32 to vector<16xi32>
    %min3A_205 = arith.minsi %min3A_204, %max3A_203 : vector<16xi32>
    tpu.vector_store_idx %arg4[%min3A_205], %broadcast_in_dim3A_9 masked %and3A_199 : memref<3200xf32, #tpu.memory_space<vmem>>[vector<16xi32>], vector<16xf32>, vector<16xi1>
    %get3A_206 = arith.constant 192 : index
    %get3A_207 = tpu.vector_load %arg5[%get3A_206] {strides = array<i32>} : memref<256xi32, #tpu.memory_space<vmem>>, vector<16xi32>,
    %sub3A_208 = vector.broadcast %mul3A_2 : i32 to vector<16xi32>
    %sub3A_209 = arith.subi %get3A_207, %sub3A_208 : vector<16xi32>
    %ge3A_210 = arith.constant 0 : i32
    %ge3A_211 = vector.broadcast %ge3A_210 : i32 to vector<16xi32>
    %ge3A_212 = arith.cmpi sge, %sub3A_209, %ge3A_211 : vector<16xi32>
    %lt3A_213 = arith.constant 3200 : i32
    %lt3A_214 = vector.broadcast %lt3A_213 : i32 to vector<16xi32>
    %lt3A_215 = arith.cmpi slt, %sub3A_209, %lt3A_214 : vector<16xi32>
    %and3A_216 = arith.andi %ge3A_212, %lt3A_215 : vector<16xi1>
    %jit3A_217 = arith.constant 0 : i32
    %jit3A_218 = arith.constant 3199 : i32
    %max3A_219 = vector.broadcast %jit3A_217 : i32 to vector<16xi32>
    %max3A_220 = arith.maxsi %max3A_219, %sub3A_209 : vector<16xi32>
    %min3A_221 = vector.broadcast %jit3A_218 : i32 to vector<16xi32>
    %min3A_222 = arith.minsi %min3A_221, %max3A_220 : vector<16xi32>
    tpu.vector_store_idx %arg4[%min3A_222], %broadcast_in_dim3A_9 masked %and3A_216 : memref<3200xf32, #tpu.memory_space<vmem>>[vector<16xi32>], vector<16xf32>, vector<16xi1>
    %get3A_223 = arith.constant 208 : index
    %get3A_224 = tpu.vector_load %arg5[%get3A_223] {strides = array<i32>} : memref<256xi32, #tpu.memory_space<vmem>>, vector<16xi32>,
    %sub3A_225 = vector.broadcast %mul3A_2 : i32 to vector<16xi32>
    %sub3A_226 = arith.subi %get3A_224, %sub3A_225 : vector<16xi32>
    %ge3A_227 = arith.constant 0 : i32
    %ge3A_228 = vector.broadcast %ge3A_227 : i32 to vector<16xi32>
    %ge3A_229 = arith.cmpi sge, %sub3A_226, %ge3A_228 : vector<16xi32>
    %lt3A_230 = arith.constant 3200 : i32
    %lt3A_231 = vector.broadcast %lt3A_230 : i32 to vector<16xi32>
    %lt3A_232 = arith.cmpi slt, %sub3A_226, %lt3A_231 : vector<16xi32>
    %and3A_233 = arith.andi %ge3A_229, %lt3A_232 : vector<16xi1>
    %jit3A_234 = arith.constant 0 : i32
    %jit3A_235 = arith.constant 3199 : i32
    %max3A_236 = vector.broadcast %jit3A_234 : i32 to vector<16xi32>
    %max3A_237 = arith.maxsi %max3A_236, %sub3A_226 : vector<16xi32>
    %min3A_238 = vector.broadcast %jit3A_235 : i32 to vector<16xi32>
    %min3A_239 = arith.minsi %min3A_238, %max3A_237 : vector<16xi32>
    tpu.vector_store_idx %arg4[%min3A_239], %broadcast_in_dim3A_9 masked %and3A_233 : memref<3200xf32, #tpu.memory_space<vmem>>[vector<16xi32>], vector<16xf32>, vector<16xi1>
    %get3A_240 = arith.constant 224 : index
    %get3A_241 = tpu.vector_load %arg5[%get3A_240] {strides = array<i32>} : memref<256xi32, #tpu.memory_space<vmem>>, vector<16xi32>,
    %sub3A_242 = vector.broadcast %mul3A_2 : i32 to vector<16xi32>
    %sub3A_243 = arith.subi %get3A_241, %sub3A_242 : vector<16xi32>
    %ge3A_244 = arith.constant 0 : i32
    %ge3A_245 = vector.broadcast %ge3A_244 : i32 to vector<16xi32>
    %ge3A_246 = arith.cmpi sge, %sub3A_243, %ge3A_245 : vector<16xi32>
    %lt3A_247 = arith.constant 3200 : i32
    %lt3A_248 = vector.broadcast %lt3A_247 : i32 to vector<16xi32>
    %lt3A_249 = arith.cmpi slt, %sub3A_243, %lt3A_248 : vector<16xi32>
    %and3A_250 = arith.andi %ge3A_246, %lt3A_249 : vector<16xi1>
    %jit3A_251 = arith.constant 0 : i32
    %jit3A_252 = arith.constant 3199 : i32
    %max3A_253 = vector.broadcast %jit3A_251 : i32 to vector<16xi32>
    %max3A_254 = arith.maxsi %max3A_253, %sub3A_243 : vector<16xi32>
    %min3A_255 = vector.broadcast %jit3A_252 : i32 to vector<16xi32>
    %min3A_256 = arith.minsi %min3A_255, %max3A_254 : vector<16xi32>
    tpu.vector_store_idx %arg4[%min3A_256], %broadcast_in_dim3A_9 masked %and3A_250 : memref<3200xf32, #tpu.memory_space<vmem>>[vector<16xi32>], vector<16xf32>, vector<16xi1>
    %get3A_257 = arith.constant 240 : index
    %get3A_258 = tpu.vector_load %arg5[%get3A_257] {strides = array<i32>} : memref<256xi32, #tpu.memory_space<vmem>>, vector<16xi32>,
    %sub3A_259 = vector.broadcast %mul3A_2 : i32 to vector<16xi32>
    %sub3A_260 = arith.subi %get3A_258, %sub3A_259 : vector<16xi32>
    %ge3A_261 = arith.constant 0 : i32
    %ge3A_262 = vector.broadcast %ge3A_261 : i32 to vector<16xi32>
    %ge3A_263 = arith.cmpi sge, %sub3A_260, %ge3A_262 : vector<16xi32>
    %lt3A_264 = arith.constant 3200 : i32
    %lt3A_265 = vector.broadcast %lt3A_264 : i32 to vector<16xi32>
    %lt3A_266 = arith.cmpi slt, %sub3A_260, %lt3A_265 : vector<16xi32>
    %and3A_267 = arith.andi %ge3A_263, %lt3A_266 : vector<16xi1>
    %jit3A_268 = arith.constant 0 : i32
    %jit3A_269 = arith.constant 3199 : i32
    %max3A_270 = vector.broadcast %jit3A_268 : i32 to vector<16xi32>
    %max3A_271 = arith.maxsi %max3A_270, %sub3A_260 : vector<16xi32>
    %min3A_272 = vector.broadcast %jit3A_269 : i32 to vector<16xi32>
    %min3A_273 = arith.minsi %min3A_272, %max3A_271 : vector<16xi32>
    tpu.vector_store_idx %arg4[%min3A_273], %broadcast_in_dim3A_9 masked %and3A_267 : memref<3200xf32, #tpu.memory_space<vmem>>[vector<16xi32>], vector<16xf32>, vector<16xi1>
    "tpu.region"() ({
      %run_scoped3A = tpu.sem_alloc : memref<!tpu.dma_semaphore, #tpu.memory_space<semaphore_mem>>
      %dma_start3A = tpu.memref_slice %arg3[%mul3A_2] : memref<102400xf32, #tpu.memory_space<hbm>> -> memref<3200xf32, #tpu.memory_space<hbm>>
      %dma_start3A_274 = tpu.memref_slice %arg3[%mul3A_2] : memref<102400xf32, #tpu.memory_space<hbm>> -> memref<3200xf32, #tpu.memory_space<hbm>>
      tpu.enqueue_dma source(%arg4 : memref<3200xf32, #tpu.memory_space<vmem>>) target(%dma_start3A_274 : memref<3200xf32, #tpu.memory_space<hbm>>) target_semaphore(%run_scoped3A : memref<!tpu.dma_semaphore, #tpu.memory_space<semaphore_mem>>)
      %dma_wait3A = tpu.memref_slice %arg3[%mul3A_2] : memref<102400xf32, #tpu.memory_space<hbm>> -> memref<3200xf32, #tpu.memory_space<hbm>>
      %dma_wait3A_275 = tpu.memref_slice %arg3[%mul3A_2] : memref<102400xf32, #tpu.memory_space<hbm>> -> memref<3200xf32, #tpu.memory_space<hbm>>
      tpu.wait_dma2 semaphore(%run_scoped3A : memref<!tpu.dma_semaphore, #tpu.memory_space<semaphore_mem>>) src(%arg4 : memref<3200xf32, #tpu.memory_space<vmem>>) dst(%dma_wait3A_275 : memref<3200xf32, #tpu.memory_space<hbm>>)
      tpu.yield
    }) : () -> ()
    return
  }
}

module attributes {stable_mosaic.version = 14 : i64} {
  func.func @_tc_body(%arg0: i32, %arg1: memref<256x64xf32, #tpu.memory_space<vmem>>, %arg2: memref<64x256xf32, #tpu.memory_space<vmem>>, %arg3: memref<256x100xf32, #tpu.memory_space<vmem>>, %arg4: memref<1x256xf32, #tpu.memory_space<vmem>>, %arg5: memref<256x1xf32, #tpu.memory_space<vmem>>, %arg6: memref<100x256xf32, #tpu.memory_space<vmem>>, %arg7: memref<64x4096xf32, #tpu.memory_space<vmem>>, %arg8: memref<100x4096xf32, #tpu.memory_space<vmem>>, %arg9: memref<1x1x4096xf32, #tpu.memory_space<vmem>>, %arg10: memref<1x1xf32, #tpu.memory_space<vmem>>) attributes {dimension_semantics = [#tpu.dimension_semantics<arbitrary>], iteration_bounds = array<i64: 25>, scalar_prefetch = 0 : i64, scratch_operands = 0 : i64, tpu.core_type = #tpu.core_type<tc>, window_params = [{pipeline_mode = #tpu.pipeline_mode<synchronous>, transform_indices = @transform_0, window_bounds = array<i64: 256, 64>}, {pipeline_mode = #tpu.pipeline_mode<synchronous>, transform_indices = @transform_1, window_bounds = array<i64: 64, 256>}, {pipeline_mode = #tpu.pipeline_mode<synchronous>, transform_indices = @transform_2, window_bounds = array<i64: 256, 100>}, {pipeline_mode = #tpu.pipeline_mode<synchronous>, transform_indices = @transform_3, window_bounds = array<i64: 1, 256>}, {pipeline_mode = #tpu.pipeline_mode<synchronous>, transform_indices = @transform_4, window_bounds = array<i64: 256, 1>}, {pipeline_mode = #tpu.pipeline_mode<synchronous>, transform_indices = @transform_5, window_bounds = array<i64: 100, 256>}, {transform_indices = @transform_6, window_bounds = array<i64: 64, 4096>}, {transform_indices = @transform_7, window_bounds = array<i64: 100, 4096>}, {transform_indices = @transform_8, window_bounds = array<i64: 1, 1, 4096>}, {pipeline_mode = #tpu.pipeline_mode<synchronous>, transform_indices = @transform_9, window_bounds = array<i64: 1, 1>}]} {
    %get3A = arith.constant 0 : index
    %get3A_0 = arith.constant 0 : index
    %get3A_1 = vector.load %arg1[%get3A, %get3A_0] : memref<256x64xf32, #tpu.memory_space<vmem>>, vector<256x64xf32>
    %get3A_2 = arith.constant 0 : index
    %get3A_3 = arith.constant 0 : index
    %get3A_4 = vector.load %arg3[%get3A_2, %get3A_3] : memref<256x100xf32, #tpu.memory_space<vmem>>, vector<256x100xf32>
    %convert_element_type3A = arith.truncf %get3A_1 : vector<256x64xf32> to vector<256x64xbf16>
    %get3A_5 = arith.constant 0 : index
    %get3A_6 = arith.constant 0 : index
    %get3A_7 = vector.load %arg7[%get3A_5, %get3A_6] : memref<64x4096xf32, #tpu.memory_space<vmem>>, vector<64x4096xf32>
    %convert_element_type3A_8 = arith.truncf %get3A_7 : vector<64x4096xf32> to vector<64x4096xbf16>
    %dot_general3A = arith.constant dense<0.000000e+00> : vector<256x4096xf32>
    %dot_general3A_9 = tpu.matmul %convert_element_type3A, %convert_element_type3A_8, %dot_general3A {dimension_numbers = #tpu.dot_dimension_numbers<[1], [0], [0], [1], [0, 0, 1, 1], [], []>, transpose_lhs_hint = false} : vector<256x64xbf16>, vector<64x4096xbf16>, vector<256x4096xf32> -> vector<256x4096xf32>
    %convert_element_type3A_10 = arith.truncf %get3A_4 : vector<256x100xf32> to vector<256x100xbf16>
    %get3A_11 = arith.constant 0 : index
    %get3A_12 = arith.constant 0 : index
    %get3A_13 = vector.load %arg8[%get3A_11, %get3A_12] : memref<100x4096xf32, #tpu.memory_space<vmem>>, vector<100x4096xf32>
    %convert_element_type3A_14 = arith.truncf %get3A_13 : vector<100x4096xf32> to vector<100x4096xbf16>
    %dot_general3A_15 = arith.constant dense<0.000000e+00> : vector<256x4096xf32>
    %dot_general3A_16 = tpu.matmul %convert_element_type3A_10, %convert_element_type3A_14, %dot_general3A_15 {dimension_numbers = #tpu.dot_dimension_numbers<[1], [0], [0], [1], [0, 0, 1, 1], [], []>, transpose_lhs_hint = false} : vector<256x100xbf16>, vector<100x4096xbf16>, vector<256x4096xf32> -> vector<256x4096xf32>
    %exp23A = math.exp2 %dot_general3A_9 : vector<256x4096xf32>
    %add3A = arith.constant 1.000000e+00 : f32
    %add3A_17 = vector.broadcast %add3A : f32 to vector<256x4096xf32>
    %add3A_18 = arith.addf %add3A_17, %exp23A : vector<256x4096xf32>
    %log3A = math.log %add3A_18 : vector<256x4096xf32>
    %log3A_19 = arith.constant 2.000000e+00 : f32
    %log3A_20 = math.log %log3A_19 : f32
    %div3A = vector.broadcast %log3A_20 : f32 to vector<256x4096xf32>
    %div3A_21 = arith.divf %log3A, %div3A : vector<256x4096xf32>
    %gt3A = arith.constant 0.000000e+00 : f32
    %gt3A_22 = vector.broadcast %gt3A : f32 to vector<256x4096xf32>
    %gt3A_23 = arith.cmpf ogt, %dot_general3A_16, %gt3A_22 : vector<256x4096xf32>
    %jit3A = arith.constant 0.000000e+00 : f32
    %broadcast_in_dim3A = vector.broadcast %jit3A : f32 to vector<256x4096xf32>
    %select_n3A = arith.select %gt3A_23, %dot_general3A_9, %broadcast_in_dim3A : vector<256x4096xi1>, vector<256x4096xf32>
    %sub3A = arith.subf %div3A_21, %select_n3A : vector<256x4096xf32>
    %iota3A = tpu.iota {dimensions = array<i32: 1>} : vector<1x4096xi32>
    %mul3A = arith.constant 4096 : i32
    %mul3A_24 = arith.muli %arg0, %mul3A : i32
    %add3A_25 = vector.broadcast %mul3A_24 : i32 to vector<1x4096xi32>
    %add3A_26 = arith.addi %iota3A, %add3A_25 : vector<1x4096xi32>
    %lt3A = arith.constant 100000 : i32
    %lt3A_27 = vector.broadcast %lt3A : i32 to vector<1x4096xi32>
    %lt3A_28 = arith.cmpi slt, %add3A_26, %lt3A_27 : vector<1x4096xi32>
    %jit3A_29 = arith.constant 0.000000e+00 : f32
    %broadcast_in_dim3A_30 = vector.shape_cast %lt3A_28 : vector<1x4096xi1> to vector<1x4096xi1>
    %broadcast_in_dim3A_31 = vector.broadcast %broadcast_in_dim3A_30 : vector<1x4096xi1> to vector<256x4096xi1>
    %broadcast_in_dim3A_32 = vector.broadcast %jit3A_29 : f32 to vector<256x4096xf32>
    %select_n3A_33 = arith.select %broadcast_in_dim3A_31, %sub3A, %broadcast_in_dim3A_32 : vector<256x4096xi1>, vector<256x4096xf32>
    %broadcast_in_dim3A_34 = arith.constant 1.000000e+00 : f32
    %broadcast_in_dim3A_35 = vector.broadcast %broadcast_in_dim3A_34 : f32 to vector<1x256xf32>
    %dot_general3A_36 = arith.constant dense<0.000000e+00> : vector<1x4096xf32>
    %dot_general3A_37 = tpu.matmul %broadcast_in_dim3A_35, %select_n3A_33, %dot_general3A_36 {dimension_numbers = #tpu.dot_dimension_numbers<[1], [0], [0], [1], [0, 0, 1, 1], [], []>, transpose_lhs_hint = false} : vector<1x256xf32>, vector<256x4096xf32>, vector<1x4096xf32> -> vector<1x4096xf32>
    %get3A_38 = arith.constant 0 : index
    %get3A_39 = arith.constant 0 : index
    %get3A_40 = arith.constant 0 : index
    %get3A_41 = vector.load %arg9[%get3A_38, %get3A_39, %get3A_40] : memref<1x1x4096xf32, #tpu.memory_space<vmem>>, vector<1x1x4096xf32>
    %reshape3A = vector.shape_cast %get3A_41 : vector<1x1x4096xf32> to vector<1x4096xf32>
    %mul3A_42 = arith.mulf %dot_general3A_37, %reshape3A : vector<1x4096xf32>
    %reduce_sum3A = vector.shape_cast %mul3A_42 : vector<1x4096xf32> to vector<1x1x4096xf32>
    %reduce_sum3A_43 = arith.constant dense<0.000000e+00> : vector<1xf32>
    %reduce_sum3A_44 = vector.multi_reduction <add>, %reduce_sum3A, %reduce_sum3A_43 [1, 2] : vector<1x1x4096xf32> to vector<1xf32>
    %reduce_sum3A_45 = vector.shape_cast %reduce_sum3A_44 : vector<1xf32> to vector<1x1x1xf32>
    %reduce_sum3A_46 = vector.extract %reduce_sum3A_45[0, 0, 0] : f32 from vector<1x1x1xf32>
    %broadcast_in_dim3A_47 = vector.broadcast %reduce_sum3A_46 : f32 to vector<1x1xf32>
    %eq3A = arith.constant 0 : i32
    %eq3A_48 = arith.cmpi eq, %arg0, %eq3A : i32
    %convert_element_type3A_49 = arith.extui %eq3A_48 : i1 to i32
    %cond3A = arith.constant 0 : i32
    %cond3A_50 = arith.cmpi ne, %convert_element_type3A_49, %cond3A : i32
    scf.if %cond3A_50 {
      %swap3A = arith.constant 0 : index
      %swap3A_60 = arith.constant 0 : index
      %swap3A_61 = vector.load %arg10[%swap3A, %swap3A_60] : memref<1x1xf32, #tpu.memory_space<vmem>>, vector<1x1xf32>
      tpu.vector_store %arg10[%swap3A, %swap3A_60], %broadcast_in_dim3A_47 {strides = array<i32>} : memref<1x1xf32, #tpu.memory_space<vmem>>, vector<1x1xf32>,
    } else {
    }
    %ne3A = arith.constant 0 : i32
    %ne3A_51 = arith.cmpi ne, %arg0, %ne3A : i32
    %convert_element_type3A_52 = arith.extui %ne3A_51 : i1 to i32
    %cond3A_53 = arith.constant 0 : i32
    %cond3A_54 = arith.cmpi ne, %convert_element_type3A_52, %cond3A_53 : i32
    scf.if %cond3A_54 {
      %get3A_60 = arith.constant 0 : index
      %get3A_61 = arith.constant 0 : index
      %get3A_62 = vector.load %arg10[%get3A_60, %get3A_61] : memref<1x1xf32, #tpu.memory_space<vmem>>, vector<1x1xf32>
      %add3A_63 = arith.addf %get3A_62, %broadcast_in_dim3A_47 : vector<1x1xf32>
      %swap3A = arith.constant 0 : index
      %swap3A_64 = arith.constant 0 : index
      %swap3A_65 = vector.load %arg10[%swap3A, %swap3A_64] : memref<1x1xf32, #tpu.memory_space<vmem>>, vector<1x1xf32>
      tpu.vector_store %arg10[%swap3A, %swap3A_64], %add3A_63 {strides = array<i32>} : memref<1x1xf32, #tpu.memory_space<vmem>>, vector<1x1xf32>,
    } else {
    }
    %eq3A_55 = arith.constant 24 : i32
    %eq3A_56 = arith.cmpi eq, %arg0, %eq3A_55 : i32
    %convert_element_type3A_57 = arith.extui %eq3A_56 : i1 to i32
    %cond3A_58 = arith.constant 0 : i32
    %cond3A_59 = arith.cmpi ne, %convert_element_type3A_57, %cond3A_58 : i32
    scf.if %cond3A_59 {
      %get3A_60 = arith.constant 0 : index
      %get3A_61 = arith.constant 0 : index
      %get3A_62 = vector.load %arg2[%get3A_60, %get3A_61] : memref<64x256xf32, #tpu.memory_space<vmem>>, vector<64x256xf32>
      %dot_general3A_63 = arith.constant dense<0.000000e+00> : vector<256x256xf32>
      %dot_general3A_64 = tpu.matmul %get3A_1, %get3A_62, %dot_general3A_63 {dimension_numbers = #tpu.dot_dimension_numbers<[1], [0], [0], [1], [0, 0, 1, 1], [], []>, transpose_lhs_hint = false} : vector<256x64xf32>, vector<64x256xf32>, vector<256x256xf32> -> vector<256x256xf32>
      %dot_general3A_65 = arith.constant dense<0.000000e+00> : vector<256x256xf32>
      %dot_general3A_66 = tpu.matmul %get3A_4, %get3A_4, %dot_general3A_65 {dimension_numbers = #tpu.dot_dimension_numbers<[1], [1], [0], [0], [0, 0, 1, 0], [], []>, transpose_lhs_hint = false} : vector<256x100xf32>, vector<256x100xf32>, vector<256x256xf32> -> vector<256x256xf32>
      %exp23A_67 = math.exp2 %dot_general3A_64 : vector<256x256xf32>
      %add3A_68 = arith.constant 1.000000e+00 : f32
      %add3A_69 = vector.broadcast %add3A_68 : f32 to vector<256x256xf32>
      %add3A_70 = arith.addf %add3A_69, %exp23A_67 : vector<256x256xf32>
      %log3A_71 = math.log %add3A_70 : vector<256x256xf32>
      %log3A_72 = arith.constant 2.000000e+00 : f32
      %log3A_73 = math.log %log3A_72 : f32
      %div3A_74 = vector.broadcast %log3A_73 : f32 to vector<256x256xf32>
      %div3A_75 = arith.divf %log3A_71, %div3A_74 : vector<256x256xf32>
      %gt3A_76 = arith.constant 0.000000e+00 : f32
      %gt3A_77 = vector.broadcast %gt3A_76 : f32 to vector<256x256xf32>
      %gt3A_78 = arith.cmpf ogt, %dot_general3A_66, %gt3A_77 : vector<256x256xf32>
      %jit3A_79 = arith.constant 0.000000e+00 : f32
      %broadcast_in_dim3A_80 = vector.broadcast %jit3A_79 : f32 to vector<256x256xf32>
      %select_n3A_81 = arith.select %gt3A_78, %dot_general3A_64, %broadcast_in_dim3A_80 : vector<256x256xi1>, vector<256x256xf32>
      %sub3A_82 = arith.subf %div3A_75, %select_n3A_81 : vector<256x256xf32>
      %get3A_83 = arith.constant 0 : index
      %get3A_84 = arith.constant 0 : index
      %get3A_85 = vector.load %arg5[%get3A_83, %get3A_84] : memref<256x1xf32, #tpu.memory_space<vmem>>, vector<256x1xf32>
      %get3A_86 = arith.constant 0 : index
      %get3A_87 = arith.constant 0 : index
      %get3A_88 = vector.load %arg4[%get3A_86, %get3A_87] : memref<1x256xf32, #tpu.memory_space<vmem>>, vector<1x256xf32>
      %eq3A_89 = vector.broadcast %get3A_85 : vector<256x1xf32> to vector<256x256xf32>
      %eq3A_90 = vector.broadcast %get3A_88 : vector<1x256xf32> to vector<256x256xf32>
      %eq3A_91 = arith.cmpf oeq, %eq3A_89, %eq3A_90 : vector<256x256xf32>
      %iota3A_92 = tpu.iota {dimensions = array<i32: 0>} : vector<256x256xi32>
      %iota3A_93 = tpu.iota {dimensions = array<i32: 1>} : vector<256x256xi32>
      %gt3A_94 = arith.cmpi sgt, %iota3A_92, %iota3A_93 : vector<256x256xi32>
      %and3A = arith.andi %eq3A_91, %gt3A_94 : vector<256x256xi1>
      %jit3A_95 = arith.constant 1.000000e+00 : f32
      %jit3A_96 = arith.constant 0.000000e+00 : f32
      %broadcast_in_dim3A_97 = vector.broadcast %jit3A_95 : f32 to vector<256x256xf32>
      %broadcast_in_dim3A_98 = vector.broadcast %jit3A_96 : f32 to vector<256x256xf32>
      %select_n3A_99 = arith.select %and3A, %broadcast_in_dim3A_97, %broadcast_in_dim3A_98 : vector<256x256xi1>, vector<256x256xf32>
      %reduce_max3A = arith.constant dense<0xFF800000> : vector<256xf32>
      %reduce_max3A_100 = vector.multi_reduction <maximumf>, %select_n3A_99, %reduce_max3A [0] : vector<256x256xf32> to vector<256xf32>
      %broadcast_in_dim3A_101 = vector.shape_cast %reduce_max3A_100 : vector<256xf32> to vector<1x256xf32>
      %sub3A_102 = arith.constant 1.000000e+00 : f32
      %sub3A_103 = vector.broadcast %sub3A_102 : f32 to vector<1x256xf32>
      %sub3A_104 = arith.subf %sub3A_103, %broadcast_in_dim3A_101 : vector<1x256xf32>
      %mul3A_105 = vector.broadcast %sub3A_104 : vector<1x256xf32> to vector<256x256xf32>
      %mul3A_106 = arith.mulf %sub3A_82, %mul3A_105 : vector<256x256xf32>
      %reduce_sum3A_107 = vector.shape_cast %mul3A_106 : vector<256x256xf32> to vector<1x256x256xf32>
      %reduce_sum3A_108 = arith.constant dense<0.000000e+00> : vector<1xf32>
      %reduce_sum3A_109 = vector.multi_reduction <add>, %reduce_sum3A_107, %reduce_sum3A_108 [1, 2] : vector<1x256x256xf32> to vector<1xf32>
      %reduce_sum3A_110 = vector.shape_cast %reduce_sum3A_109 : vector<1xf32> to vector<1x1x1xf32>
      %reduce_sum3A_111 = vector.extract %reduce_sum3A_110[0, 0, 0] : f32 from vector<1x1x1xf32>
      %broadcast_in_dim3A_112 = vector.broadcast %reduce_sum3A_111 : f32 to vector<1x1xf32>
      %get3A_113 = arith.constant 0 : index
      %get3A_114 = arith.constant 0 : index
      %get3A_115 = vector.load %arg6[%get3A_113, %get3A_114] : memref<100x256xf32, #tpu.memory_space<vmem>>, vector<100x256xf32>
      %max3A = arith.constant 0.000000e+00 : f32
      %max3A_116 = vector.broadcast %max3A : f32 to vector<100x256xf32>
      %max3A_117 = arith.maximumf %get3A_115, %max3A_116 : vector<100x256xf32>
      %transpose3A = tpu.transpose %get3A_4, [1, 0] : vector<256x100xf32> -> vector<100x256xf32>
      %mul3A_118 = arith.mulf %get3A_115, %transpose3A : vector<100x256xf32>
      %sub3A_119 = arith.subf %max3A_117, %mul3A_118 : vector<100x256xf32>
      %abs3A = math.absf %get3A_115 : vector<100x256xf32>
      %neg3A = arith.constant 0.000000e+00 : f32
      %neg3A_120 = vector.broadcast %neg3A : f32 to vector<100x256xf32>
      %neg3A_121 = arith.subf %neg3A_120, %abs3A : vector<100x256xf32>
      %exp3A = math.exp %neg3A_121 : vector<100x256xf32>
      %log1p3A = math.log1p %exp3A : vector<100x256xf32>
      %add3A_122 = arith.addf %sub3A_119, %log1p3A : vector<100x256xf32>
      %reduce_sum3A_123 = vector.shape_cast %add3A_122 : vector<100x256xf32> to vector<1x100x256xf32>
      %reduce_sum3A_124 = arith.constant dense<0.000000e+00> : vector<1xf32>
      %reduce_sum3A_125 = vector.multi_reduction <add>, %reduce_sum3A_123, %reduce_sum3A_124 [1, 2] : vector<1x100x256xf32> to vector<1xf32>
      %reduce_sum3A_126 = vector.shape_cast %reduce_sum3A_125 : vector<1xf32> to vector<1x1x1xf32>
      %reduce_sum3A_127 = vector.extract %reduce_sum3A_126[0, 0, 0] : f32 from vector<1x1x1xf32>
      %broadcast_in_dim3A_128 = vector.broadcast %reduce_sum3A_127 : f32 to vector<1x1xf32>
      %div3A_129 = arith.constant 2.560000e+04 : f32
      %div3A_130 = vector.broadcast %div3A_129 : f32 to vector<1x1xf32>
      %div3A_131 = arith.divf %broadcast_in_dim3A_128, %div3A_130 : vector<1x1xf32>
      %sign3A = tpu.bitcast %get3A_62 : vector<64x256xf32> -> vector<64x256xi32>
      %sign3A_132 = arith.constant -2147483648 : i32
      %sign3A_133 = vector.broadcast %sign3A_132 : i32 to vector<64x256xi32>
      %sign3A_134 = arith.andi %sign3A, %sign3A_133 : vector<64x256xi32>
      %sign3A_135 = arith.constant 1065353216 : i32
      %sign3A_136 = vector.broadcast %sign3A_135 : i32 to vector<64x256xi32>
      %sign3A_137 = arith.ori %sign3A_136, %sign3A_134 : vector<64x256xi32>
      %sign3A_138 = tpu.bitcast %sign3A_137 : vector<64x256xi32> -> vector<64x256xf32>
      %sign3A_139 = math.absf %get3A_62 : vector<64x256xf32>
      %sign3A_140 = arith.constant 0.000000e+00 : f32
      %sign3A_141 = vector.broadcast %sign3A_140 : f32 to vector<64x256xf32>
      %sign3A_142 = arith.cmpf ogt, %sign3A_139, %sign3A_141 : vector<64x256xf32>
      %sign3A_143 = arith.select %sign3A_142, %sign3A_138, %get3A_62 : vector<64x256xi1>, vector<64x256xf32>
      %sub3A_144 = arith.subf %get3A_62, %sign3A_143 : vector<64x256xf32>
      %integer_pow3A = arith.mulf %sub3A_144, %sub3A_144 : vector<64x256xf32>
      %reduce_sum3A_145 = vector.shape_cast %integer_pow3A : vector<64x256xf32> to vector<1x64x256xf32>
      %reduce_sum3A_146 = arith.constant dense<0.000000e+00> : vector<1xf32>
      %reduce_sum3A_147 = vector.multi_reduction <add>, %reduce_sum3A_145, %reduce_sum3A_146 [1, 2] : vector<1x64x256xf32> to vector<1xf32>
      %reduce_sum3A_148 = vector.shape_cast %reduce_sum3A_147 : vector<1xf32> to vector<1x1x1xf32>
      %reduce_sum3A_149 = vector.extract %reduce_sum3A_148[0, 0, 0] : f32 from vector<1x1x1xf32>
      %broadcast_in_dim3A_150 = vector.broadcast %reduce_sum3A_149 : f32 to vector<1x1xf32>
      %mul3A_151 = arith.constant 6.10351572E-6 : f32
      %mul3A_152 = vector.broadcast %mul3A_151 : f32 to vector<1x1xf32>
      %mul3A_153 = arith.mulf %broadcast_in_dim3A_150, %mul3A_152 : vector<1x1xf32>
      %get3A_154 = arith.constant 0 : index
      %get3A_155 = arith.constant 0 : index
      %get3A_156 = vector.load %arg10[%get3A_154, %get3A_155] : memref<1x1xf32, #tpu.memory_space<vmem>>, vector<1x1xf32>
      %add3A_157 = arith.addf %get3A_156, %broadcast_in_dim3A_112 : vector<1x1xf32>
      %mul3A_158 = arith.constant 2.70760623E-8 : f32
      %mul3A_159 = vector.broadcast %mul3A_158 : f32 to vector<1x1xf32>
      %mul3A_160 = arith.mulf %add3A_157, %mul3A_159 : vector<1x1xf32>
      %add3A_161 = arith.addf %mul3A_160, %mul3A_153 : vector<1x1xf32>
      %mul3A_162 = arith.constant 2.000000e-01 : f32
      %mul3A_163 = vector.broadcast %mul3A_162 : f32 to vector<1x1xf32>
      %mul3A_164 = arith.mulf %mul3A_163, %add3A_161 : vector<1x1xf32>
      %mul3A_165 = arith.constant 8.000000e-01 : f32
      %mul3A_166 = vector.broadcast %mul3A_165 : f32 to vector<1x1xf32>
      %mul3A_167 = arith.mulf %mul3A_166, %div3A_131 : vector<1x1xf32>
      %add3A_168 = arith.addf %mul3A_164, %mul3A_167 : vector<1x1xf32>
      %swap3A = arith.constant 0 : index
      %swap3A_169 = arith.constant 0 : index
      %swap3A_170 = vector.load %arg10[%swap3A, %swap3A_169] : memref<1x1xf32, #tpu.memory_space<vmem>>, vector<1x1xf32>
      tpu.vector_store %arg10[%swap3A, %swap3A_169], %add3A_168 {strides = array<i32>} : memref<1x1xf32, #tpu.memory_space<vmem>>, vector<1x1xf32>,
    } else {
    }
    return
  }
  func.func @transform_0(%arg0: i32) -> (i32, i32) {
    %c0_i32 = arith.constant 0 : i32
    %c0_i32_0 = arith.constant 0 : i32
    %c0_i32_1 = arith.constant 0 : i32
    return %c0_i32, %c0_i32_0 : i32, i32
  }
  func.func @transform_1(%arg0: i32) -> (i32, i32) {
    %c0_i32 = arith.constant 0 : i32
    %c0_i32_0 = arith.constant 0 : i32
    %c0_i32_1 = arith.constant 0 : i32
    return %c0_i32, %c0_i32_0 : i32, i32
  }
  func.func @transform_2(%arg0: i32) -> (i32, i32) {
    %c0_i32 = arith.constant 0 : i32
    %c0_i32_0 = arith.constant 0 : i32
    %c0_i32_1 = arith.constant 0 : i32
    return %c0_i32, %c0_i32_0 : i32, i32
  }
  func.func @transform_3(%arg0: i32) -> (i32, i32) {
    %c0_i32 = arith.constant 0 : i32
    %c0_i32_0 = arith.constant 0 : i32
    %c0_i32_1 = arith.constant 0 : i32
    return %c0_i32, %c0_i32_0 : i32, i32
  }
  func.func @transform_4(%arg0: i32) -> (i32, i32) {
    %c0_i32 = arith.constant 0 : i32
    %c0_i32_0 = arith.constant 0 : i32
    %c0_i32_1 = arith.constant 0 : i32
    return %c0_i32, %c0_i32_0 : i32, i32
  }
  func.func @transform_5(%arg0: i32) -> (i32, i32) {
    %c0_i32 = arith.constant 0 : i32
    %c0_i32_0 = arith.constant 0 : i32
    %c0_i32_1 = arith.constant 0 : i32
    return %c0_i32, %c0_i32_0 : i32, i32
  }
  func.func @transform_6(%arg0: i32) -> (i32, i32) {
    %c0_i32 = arith.constant 0 : i32
    %c0_i32_0 = arith.constant 0 : i32
    return %c0_i32, %arg0 : i32, i32
  }
  func.func @transform_7(%arg0: i32) -> (i32, i32) {
    %c0_i32 = arith.constant 0 : i32
    %c0_i32_0 = arith.constant 0 : i32
    return %c0_i32, %arg0 : i32, i32
  }
  func.func @transform_8(%arg0: i32) -> (i32, i32, i32) {
    %c0_i32 = arith.constant 0 : i32
    %c0_i32_0 = arith.constant 0 : i32
    %c0_i32_1 = arith.constant 0 : i32
    return %arg0, %c0_i32, %c0_i32_0 : i32, i32, i32
  }
  func.func @transform_9(%arg0: i32) -> (i32, i32) {
    %c0_i32 = arith.constant 0 : i32
    %c0_i32_0 = arith.constant 0 : i32
    %c0_i32_1 = arith.constant 0 : i32
    return %c0_i32, %c0_i32_0 : i32, i32
  }
}

</mosaic_0001>

<sc_bundles>
// kernel: kernel.4.cloned.1.call-start
scs
__scs_entry_jumppad:
0x0: {  	(pc) =	sbr.rel $0x88, $3  }
0x1: {  	(tag) =	ssettag $0x0;
	lr =	simm.s32 $0x1  }
0x2: {  	[smem:$0x3F9B] =	sst lr;
	_ =	strace $0xD0000000  }
0x3: {  	_ = 	snop  }
0x4: {  	_ = 	snop  }
0x5: {  	_ = 	snop  }
0x6: {  	_ = 	snop  }
0x7: {  	_ = 	snop  }
__scs_overlays_trampoline_lowered:
0x8: {  	[smem:$0x3FAA] =	sst s0  }
0x9: {  	[smem:$0x3FAB] =	sst s1  }
0xa: {  	[smem:$0x3FAC] =	sst s2  }
0xb: {  	[smem:$0x3FAD] =	sst s3  }
0xc: {  	[smem:$0x3FAE] =	sst s4  }
0xd: {  	[smem:$0x3FAF] =	sst s5  }
0xe: {  	[smem:$0x3FB0] =	sst s6  }
0xf: {  	[smem:$0x3FB1] =	sst s7  }
0x10: {  	[smem:$0x3FB2] =	sst s8  }
0x11: {  	[smem:$0x3FB3] =	sst s9;
	s0 =	simm.s32 @!p0 $0x0  }
0x12: {  	s1 =	sld [smem:$0x3F99];
	s0 =	simm.s32 @p0 $0x1  }
0x13: {  	[smem:$0x3FB4] =	sst s0;
	s0 =	simm.s32 @!p1 $0x0  }
0x14: {  	s2 =	sld [smem:$0x3F98];
	s0 =	simm.s32 @p1 $0x1  }
0x15: {  	[smem:$0x3FB5] =	sst s0;
	s0 =	simm.s32 @!p2 $0x0  }
0x16: {  	s3 =	sld [smem:$0x3FDB];
	s0 =	simm.s32 @p2 $0x1  }
0x17: {  	s4 =	simm.s32 $0x1BF5;
	[smem:$0x3FB7] =	sst s0  }
0x18: {  	s0 =	sld [smem:$0x3F9A];
	_ =	swait.ge [sflag:s4], $0x0  }
0x19: {  	s7 =	sld [smem:$0x3F9B]  }
0x1a: {  	s8 =	sadd.s32 $0xFFFFE003, lr  }
0x1b: {  	s9 =	sadd.s32 $0xFFFFFEF7, lr;
	s5 =	simm.s32 $0xFFFFFFFF;
	p2 =	slt.u32 s8, $0xFFFFF086  }
0x1c: {  	p1 =	slt.u32 s9, $0xF7A;
	s5 =	simm.s32 @!p2 $0x0  }
0x1d: {  	s5 =	simm.s32 @p1 $0x1;
	p0 =	seq.s32 s7, s2  }
0x1e: {  	s7 =	smul.u32 @!p0 $0xF7A, s2;
	p2 =	seq.s32 @!p0 s5, $0x0  }
0x1f: {  	s9 =	smul.u32 $0xF7A, s1;
	s8 =	simm.s32 @!p0 $0x1BF5;
	p2 =	por !p2, p0  }
0x20: {  	[sflag:s8] =	ssyncset.s32 @!p0 $0xFFFFF086;
	s6 =	sadd.s32 @!p0 s3, s7;
	s7 =	simm.s32 @!p0 $0x108  }
0x21: {  	s3 =	sadd.s32 s3, s9;
	s6 =	sadd.s32 @!p0 $0x88, s6;
	s7 =	simm.s32 @p2 $0x1082  }
0x22: {  	[simem:s7], [sflag:s8] =	dma.local @!p0 [hbm:s6], $0xF7A  }
0x23: {  	s9 =	sor.u32 $0xD0000000, s2;
	s6 =	simm.s32 $0x108;
	_ =	swait.ge @!p0 [sflag:s8], $0x0  }
0x24: {  	s3 =	sadd.s32 $0x88, s3;
	s6 =	simm.s32 @!p1 $0x1082;
	[sflag:s4] =	ssyncset.s32 $0xFFFFF086  }
0x25: {  	[simem:s6], [sflag:s4] =	dma.local [hbm:s3], $0xF7A  }
0x26: {  	[smem:$0x3F9B] =	sst s1;
	(tag) =	ssettag s2;
	_ =	strace s9  }
0x27: {  	s1 =	sld [smem:$0x3FAB]  }
0x28: {  	s2 =	sld [smem:$0x3FAC]  }
0x29: {  	s4 =	sld [smem:$0x3FAE]  }
0x2a: {  	p0 =	seq.s32 s5, $0x0;
	s5 =	sld [smem:$0x3FAF]  }
0x2b: {  	s6 =	sld [smem:$0x3FB0]  }
0x2c: {  	s7 =	sld [smem:$0x3FB1]  }
0x2d: {  	s3 =	simm.s32 $0x108;
	s8 =	sld [smem:$0x3FB2]  }
0x2e: {  	s3 =	simm.s32 @!p0 $0x1082;
	s9 =	sld [smem:$0x3FB3]  }
0x2f: {  	lr =	sadd.s32 s0, s3;
	s0 =	sld [smem:$0x3FAA]  }
0x30: {  	s3 =	sld [smem:$0x3FAD]  }
0x31: {  	[smem:$0x3FB6] =	sst s10  }
0x32: {  	s10 =	sld [smem:$0x3FB4];
	_ =	sdelay $0x3  }
0x33: {  	p0 =	seq.s32 s10, $0x1;
	s10 =	sld [smem:$0x3FB6];
	_ =	sdelay $0x3  }
0x34: {  	[smem:$0x3FB6] =	sst s10  }
0x35: {  	s10 =	sld [smem:$0x3FB5];
	_ =	sdelay $0x3  }
0x36: {  	p1 =	seq.s32 s10, $0x1;
	s10 =	sld [smem:$0x3FB6];
	_ =	sdelay $0x3  }
0x37: {  	[smem:$0x3FB6] =	sst s10  }
0x38: {  	s10 =	sld [smem:$0x3FB7]  }
0x39: {  	_ = 	snop;
	(pc) =	sbr.ind lr, $3  }
0x3a: {  	_ = 	snop  }
0x3b: {  	_ = 	snop  }
0x3c: {  	p2 =	seq.s32 s10, $0x1;
	s10 =	sld [smem:$0x3FB6]  }
0x3d: {  	_ =	shalt  }
0x3e: {  	_ =	shalt  }
0x3f: {  	_ =	shalt  }
0x40: {  	_ =	shalt  }
0x41: {  	_ =	shalt  }
0x42: {  	_ =	shalt  }
0x43: {  	_ =	shalt  }
0x44: {  	_ =	shalt  }
0x45: {  	_ =	shalt  }
0x46: {  	_ =	shalt  }
0x47: {  	_ =	shalt  }
0x48: {  	_ =	shalt  }
0x49: {  	_ =	shalt  }
0x4a: {  	_ =	shalt  }
0x4b: {  	_ =	shalt  }
0x4c: {  	_ =	shalt  }
0x4d: {  	_ =	shalt  }
0x4e: {  	_ =	shalt  }
0x4f: {  	_ =	shalt  }
0x50: {  	_ =	shalt  }
0x51: {  	_ =	shalt  }
0x52: {  	_ =	shalt  }
0x53: {  	_ =	shalt  }
0x54: {  	_ =	shalt  }
0x55: {  	_ =	shalt  }
0x56: {  	_ =	shalt  }
0x57: {  	_ =	shalt  }
0x58: {  	_ =	shalt  }
0x59: {  	_ =	shalt  }
0x5a: {  	_ =	shalt  }
0x5b: {  	_ =	shalt  }
0x5c: {  	_ =	shalt  }
0x5d: {  	_ =	shalt  }
0x5e: {  	_ =	shalt  }
0x5f: {  	_ =	shalt  }
0x60: {  	_ =	shalt  }
0x61: {  	_ =	shalt  }
0x62: {  	_ =	shalt  }
0x63: {  	_ =	shalt  }
0x64: {  	_ =	shalt  }
0x65: {  	_ =	shalt  }
0x66: {  	_ =	shalt  }
0x67: {  	_ =	shalt  }
0x68: {  	_ =	shalt  }
0x69: {  	_ =	shalt  }
0x6a: {  	_ =	shalt  }
0x6b: {  	_ =	shalt  }
0x6c: {  	_ =	shalt  }
0x6d: {  	_ =	shalt  }
0x6e: {  	_ =	shalt  }
0x6f: {  	_ =	shalt  }
0x70: {  	_ =	shalt  }
0x71: {  	_ =	shalt  }
0x72: {  	_ =	shalt  }
0x73: {  	_ =	shalt  }
0x74: {  	_ =	shalt  }
0x75: {  	_ =	shalt  }
0x76: {  	_ =	shalt  }
0x77: {  	_ =	shalt  }
0x78: {  	_ =	shalt  }
0x79: {  	_ =	shalt  }
0x7a: {  	_ =	shalt  }
0x7b: {  	_ =	shalt  }
0x7c: {  	_ =	shalt  }
0x7d: {  	_ =	shalt  }
0x7e: {  	_ =	shalt  }
0x7f: {  	_ =	shalt  }
0x80: {  	_ =	shalt  }
0x81: {  	_ =	shalt  }
0x82: {  	_ =	shalt  }
0x83: {  	_ =	shalt  }
0x84: {  	_ =	shalt  }
0x85: {  	_ =	shalt  }
0x86: {  	_ =	shalt  }
0x87: {  	_ =	shalt  }
.Lfunc_end0:
.L_simem_size_0:
called_computation_lowered:
.L_overlay_start_0:
0x88: {  	s2 =	sld [smem:$0x3FD9]  }
0x89: {  	s3 =	sld [smem:$0x3FFE];
	_ =	sdelay $0x1  }
0x8a: {  	s1 =	srdreg.scid  }
0x8b: {  	s0 =	sand.u32 $0x1, s1  }
0x8c: {  	s17 =	sshll.u32 s0, $0xA;
	s2 =	sadd.s32 s3, s2  }
0x8d: {  	s2 =	sadd.s32 s2, s17  }
0x8e: {  	[smem:$0x3FC2] =	sst s2  }
0x8f: {  	_ = 	snop  }
0x90: {  	s2 =	sld [smem:$0x3FC7];
	(tm) =	ssettm $0x1  }
0x91: {  	s18 =	sld [smem:$0x3FFB];
	_ =	sdelay $0x3  }
0x92: {  	_ =	strace s18  }
0x93: {  	s3 =	sld [smem:$0x3FFC];
	_ =	sdelay $0x3  }
0x94: {  	_ =	strace s3  }
0x95: {  	s3 =	sld [smem:$0x3FFD];
	_ =	sdelay $0x3  }
0x96: {  	_ =	strace s3  }
0x97: {  	_ =	strace $0x8FFFFFFF  }
0x98: {  	s19 =	sld [smem:$0x3FDB];
	_ =	sdelay $0x1  }
0x99: {  	s4 =	simm.s32 $_scs_section_size  }
0x9a: {  	s5 =	simm.s32 $_size__tile_overlayer_lowered;
	s6 =	simm.s32 $_tile_overlayer_lowered  }
0x9b: {  	s22 =	simm.s32 $0x1BFF;
	s21 =	sshll.u32 s6, $0x1;
	s3 =	sadd.s32 s4, s19  }
0x9c: {  	s7 =	simm.s32 $0x0;
	s20 =	sshll.u32 s5, $0x1;
	s5 =	sadd.s32 s21, s3  }
0x9d: {  	[timem:s7], [sflag:s22] =	dma.local [hbm:s5], s20  }
0x9e: {  	_ =	swait.ge [sflag:s22], s20  }
0x9f: {  	s4 =	ssub.s32 $0x0, s20;
	[sflag:s22] =	ssyncset.done $0x0  }
0xa0: {  	[sflag:s22] =	ssyncadd.s32 s4;
	_ =	sdelay $0x1  }
0xa1: {  	s23 =	simm.s32 $0x1B8B  }
0xa2: {  	_ =	swait.ge [sflag:s23], $0x1  }
0xa3: {  	[sflag:s23] =	ssyncset.done $0x0  }
0xa4: {  	s25 =	simm.s32 $0x1B8E;
	s24 =	sld [smem:$0x3FFE];
	[sflag:s23] =	ssyncadd.s32 $0xFFFFFFFF  }
0xa5: {  	s26 =	simm.s32 $execute0_lowered;
	[smem:$0x3FD2] =	sst s25  }
0xa6: {  	s5 =	sshll.u32 s26, $0x1;
	_ =	strace $0x80000046;
	[dreg:$0x1] =	wrdreg $0xFFFFFFFF  }
0xa7: {  	s28 =	simm.s32 $_size_execute0_lowered;
	s3 =	sadd.s32 s3, s5;
	[dreg:$0x0] =	wrdreg $0x0  }
0xa8: {  	s5 =	sshll.u32 s28, $0x1;
	[dreg:$0x2] =	wrdreg s3  }
0xa9: {  	[dreg:$0x3] =	wrdreg s5  }
0xaa: {  	[dreg:$0x4] =	wrdreg $0xC0  }
0xab: {  	_ =	task [dreg:s7], $0x5FFFF  }
0xac: {  	[dreg:$0x1] =	wrdreg $0xFFFFFFFF  }
0xad: {  	[dreg:$0x0] =	wrdreg $0x60  }
0xae: {  	[dreg:$0x2] =	wrdreg s2  }
0xaf: {  	[dreg:$0x3] =	wrdreg s24  }
0xb0: {  	[dreg:$0x4] =	wrdreg $0x9  }
0xb1: {  	_ =	task.clear_ibuf [dreg:s7], $0x5FFFF;
	_ =	strace $0x90000046  }
0xb2: {  	s29 =	simm.s32 $0x9;
	_ =	strace $0x80000048  }
0xb3: {  	_ =	swait.ge [sflag:s29], $0x1  }
0xb4: {  	[sflag:s29] =	ssyncadd.s32 $0xFFFFFFFF  }
0xb5: {  	_ =	strace $0x90000048  }
0xb6: {  	_ =	sfence  }
0xb7: {  	s30 =	sld [smem:$0x0];
	_ =	sdelay $0x2  }
0xb8: {  	s31 =	sshll.u32 s1, $0xD;
	s1 =	sshrl.u32 s1, $0x2  }
0xb9: {  	s3 =	sand.u32 $0x4000, s31;
	s1 =	sadd.s32 s1, s30  }
0xba: {  	s0 =	sor.u32 s3, s0;
	s1 =	sshll.u32 s1, $0x11  }
0xbb: {  	s0 =	sor.u32 s1, s0  }
0xbc: {  	s0 =	sadd.s32 $0x8F2B, s0  }
0xbd: {  	[sflag:s0] =	ssyncadd.remote.s32 $0x1  }
0xbe: {  	_ =	sfence.sel $0xFFFF  }
0xbf: {  	[dreg:$0x0] =	wrdreg $0xFFFFFFFF;
	(pc) =	sbr.abs _section_cstart, $3  }
0xc0: {  	[dreg:$0x1] =	wrdreg $0xFFFFFFFF  }
0xc1: {  	_ =	task.clear_ibuf [dreg:s7], $0x2FFFF;
	_ =	strace $0x9FFFFFFF  }
0xc2: {  	(tm) =	ssettm $0x7FFFFFFF  }
0xc3: {  	_ =	shalt  }
tec
execute0_lowered:
.L_overlay_start_1:
0x0: {  	(tag) =	ssettag $0x1  }
0x1: {  	s1 =	srdreg.scid;
	s0 =	stileid.u32  }
0x2: {  	s2 =	rddreg [dreg:$0x0];
	s5 =	sand.u32 $0x1, s1;
	s30 =	sshll.u32 s0, $0x1  }
0x3: {  	s6 =	rddreg [dreg:$0x1];
	s7 =	sor.u32 s5, s30  }
0x4: {  	s4 =	simm.s32 $0x0;
	s9 =	simm.s32 $0x2;
	s3 =	smul.u32 $0xC80, s7  }
.Ltmp0:
0x5: {  	s10 =	simm.s32 $0x0;
	[smem:$0x7FF] =	sst s4;
	(pc) =	sbr.rel .LBB2_1-.Ltmp0, $4  }
0x6: {  	s1 =	rddreg [dreg:$0x2];
	s5 =	ssub.s32 $0x2, s5;
	_ =	strace $0x80000047  }
0x7: {  	s31 =	sshrl.u32 s5, $0x1;
	p0 =	seq.s32 s7, $0x1F;
	s8 =	sshrl.u32 s3, $0x3  }
0x8: {  	s7 =	simm.s32 $0xC80;
	s6 =	sadd.s32 s8, s6;
	s8 =	ssub.s32 s5, s31  }
0x9: {  	v1 =	vimm.f32 $1.000000000e+00;
	v2 =	vimm.f32 $0.0e+00;
	v0 =	vmov s3;
	s5 =	sadd.s32 $0xA00, s6;
	s6 =	smax.u32 s8, $0x1;
	s8 =	simm.s32 $0x1  }
.LBB2_7:
0xa: {  	[tilespmem:s11+$0x0] =	vst v4  }
0xb: {  	[tilespmem:s11+$0xFFFFFFE0] =	vst v3  }
.LBB2_8:
0xc: {  	_ =	swait.ge [sflag:s8], $0x100  }
0xd: {  	[sflag:s8] =	ssyncset.done $0x0  }
0xe: {  	[sflag:s8] =	ssyncadd.s32 $0xFFFFFF00  }
0xf: {  	v3 =	vld [tilespmem:$0xC80];
	_ =	sdelay $0x4  }
0x10: {  	v3 =	vsub.s32 v3, v0  }
0x11: {  	vm0 =	vgt.s32 v3, $0x0  }
0x12: {  	vm1 =	vlt.u32 v3, $0xC80;
	v3 =	vnsel vm0, $0x0, v3  }
0x13: {  	v3 =	vmin.u32 v3, $0xC7F;
	_ =	sdelay $0x4  }
0x14: {  	[tilespmem:v3+s4+$0x0] =	vst.idx.msk vm1, v2  }
0x15: {  	v3 =	vld [tilespmem:$0xC90];
	_ =	sdelay $0x4  }
0x16: {  	v3 =	vsub.s32 v3, v0  }
0x17: {  	vm10 =	vgt.s32 v3, $0x0  }
0x18: {  	vm11 =	vlt.u32 v3, $0xC80;
	v3 =	vnsel vm10, $0x0, v3  }
0x19: {  	v3 =	vmin.u32 v3, $0xC7F;
	_ =	sdelay $0x4  }
0x1a: {  	[tilespmem:v3+s4+$0x0] =	vst.idx.msk vm11, v2  }
0x1b: {  	v3 =	vld [tilespmem:$0xCA0];
	_ =	sdelay $0x4  }
0x1c: {  	v3 =	vsub.s32 v3, v0  }
0x1d: {  	vm12 =	vgt.s32 v3, $0x0  }
0x1e: {  	vm13 =	vlt.u32 v3, $0xC80;
	v3 =	vnsel vm12, $0x0, v3  }
0x1f: {  	v3 =	vmin.u32 v3, $0xC7F;
	_ =	sdelay $0x4  }
0x20: {  	[tilespmem:v3+s4+$0x0] =	vst.idx.msk vm13, v2  }
0x21: {  	v3 =	vld [tilespmem:$0xCB0];
	_ =	sdelay $0x4  }
0x22: {  	v3 =	vsub.s32 v3, v0  }
0x23: {  	vm14 =	vgt.s32 v3, $0x0  }
0x24: {  	vm15 =	vlt.u32 v3, $0xC80;
	v3 =	vnsel vm14, $0x0, v3  }
0x25: {  	v3 =	vmin.u32 v3, $0xC7F;
	_ =	sdelay $0x4  }
0x26: {  	[tilespmem:v3+s4+$0x0] =	vst.idx.msk vm15, v2  }
0x27: {  	v3 =	vld [tilespmem:$0xCC0];
	_ =	sdelay $0x4  }
0x28: {  	v3 =	vsub.s32 v3, v0  }
0x29: {  	vm4 =	vgt.s32 v3, $0x0  }
0x2a: {  	vm5 =	vlt.u32 v3, $0xC80;
	v3 =	vnsel vm4, $0x0, v3  }
0x2b: {  	v3 =	vmin.u32 v3, $0xC7F;
	_ =	sdelay $0x4  }
0x2c: {  	[tilespmem:v3+s4+$0x0] =	vst.idx.msk vm5, v2  }
0x2d: {  	v3 =	vld [tilespmem:$0xCD0];
	_ =	sdelay $0x4  }
0x2e: {  	v3 =	vsub.s32 v3, v0  }
0x2f: {  	vm6 =	vgt.s32 v3, $0x0  }
0x30: {  	vm7 =	vlt.u32 v3, $0xC80;
	v3 =	vnsel vm6, $0x0, v3  }
0x31: {  	v3 =	vmin.u32 v3, $0xC7F;
	_ =	sdelay $0x4  }
0x32: {  	[tilespmem:v3+s4+$0x0] =	vst.idx.msk vm7, v2  }
0x33: {  	v3 =	vld [tilespmem:$0xCE0];
	_ =	sdelay $0x4  }
0x34: {  	v3 =	vsub.s32 v3, v0  }
0x35: {  	vm8 =	vgt.s32 v3, $0x0  }
0x36: {  	vm9 =	vlt.u32 v3, $0xC80;
	v3 =	vnsel vm8, $0x0, v3  }
0x37: {  	v3 =	vmin.u32 v3, $0xC7F;
	_ =	sdelay $0x4  }
0x38: {  	[tilespmem:v3+s4+$0x0] =	vst.idx.msk vm9, v2  }
0x39: {  	v3 =	vld [tilespmem:$0xCF0];
	_ =	sdelay $0x4  }
0x3a: {  	v3 =	vsub.s32 v3, v0  }
0x3b: {  	vm10 =	vgt.s32 v3, $0x0  }
0x3c: {  	vm11 =	vlt.u32 v3, $0xC80;
	v3 =	vnsel vm10, $0x0, v3  }
0x3d: {  	v3 =	vmin.u32 v3, $0xC7F;
	_ =	sdelay $0x4  }
0x3e: {  	[tilespmem:v3+s4+$0x0] =	vst.idx.msk vm11, v2  }
0x3f: {  	v3 =	vld [tilespmem:$0xD00];
	_ =	sdelay $0x4  }
0x40: {  	v3 =	vsub.s32 v3, v0  }
0x41: {  	vm12 =	vgt.s32 v3, $0x0  }
0x42: {  	vm13 =	vlt.u32 v3, $0xC80;
	v3 =	vnsel vm12, $0x0, v3  }
0x43: {  	v3 =	vmin.u32 v3, $0xC7F;
	_ =	sdelay $0x4  }
0x44: {  	[tilespmem:v3+s4+$0x0] =	vst.idx.msk vm13, v2  }
0x45: {  	v3 =	vld [tilespmem:$0xD10];
	_ =	sdelay $0x4  }
0x46: {  	v3 =	vsub.s32 v3, v0  }
0x47: {  	vm14 =	vgt.s32 v3, $0x0  }
0x48: {  	vm15 =	vlt.u32 v3, $0xC80;
	v3 =	vnsel vm14, $0x0, v3  }
0x49: {  	v3 =	vmin.u32 v3, $0xC7F;
	_ =	sdelay $0x4  }
0x4a: {  	[tilespmem:v3+s4+$0x0] =	vst.idx.msk vm15, v2  }
0x4b: {  	v3 =	vld [tilespmem:$0xD20];
	_ =	sdelay $0x4  }
0x4c: {  	v3 =	vsub.s32 v3, v0  }
0x4d: {  	vm4 =	vgt.s32 v3, $0x0  }
0x4e: {  	vm5 =	vlt.u32 v3, $0xC80;
	v3 =	vnsel vm4, $0x0, v3  }
0x4f: {  	v3 =	vmin.u32 v3, $0xC7F;
	_ =	sdelay $0x4  }
0x50: {  	[tilespmem:v3+s4+$0x0] =	vst.idx.msk vm5, v2  }
0x51: {  	v3 =	vld [tilespmem:$0xD30];
	_ =	sdelay $0x4  }
0x52: {  	v3 =	vsub.s32 v3, v0  }
0x53: {  	vm6 =	vgt.s32 v3, $0x0  }
0x54: {  	vm7 =	vlt.u32 v3, $0xC80;
	v3 =	vnsel vm6, $0x0, v3  }
0x55: {  	v3 =	vmin.u32 v3, $0xC7F;
	_ =	sdelay $0x4  }
0x56: {  	[tilespmem:v3+s4+$0x0] =	vst.idx.msk vm7, v2  }
0x57: {  	v3 =	vld [tilespmem:$0xD40];
	_ =	sdelay $0x4  }
0x58: {  	v3 =	vsub.s32 v3, v0  }
0x59: {  	vm8 =	vgt.s32 v3, $0x0  }
0x5a: {  	vm9 =	vlt.u32 v3, $0xC80;
	v3 =	vnsel vm8, $0x0, v3  }
0x5b: {  	v3 =	vmin.u32 v3, $0xC7F;
	_ =	sdelay $0x4  }
0x5c: {  	[tilespmem:v3+s4+$0x0] =	vst.idx.msk vm9, v2  }
0x5d: {  	v3 =	vld [tilespmem:$0xD50];
	_ =	sdelay $0x4  }
0x5e: {  	v3 =	vsub.s32 v3, v0  }
0x5f: {  	vm10 =	vgt.s32 v3, $0x0  }
0x60: {  	vm11 =	vlt.u32 v3, $0xC80;
	v3 =	vnsel vm10, $0x0, v3  }
0x61: {  	v3 =	vmin.u32 v3, $0xC7F;
	_ =	sdelay $0x4  }
0x62: {  	[tilespmem:v3+s4+$0x0] =	vst.idx.msk vm11, v2  }
0x63: {  	v3 =	vld [tilespmem:$0xD60];
	_ =	sdelay $0x4  }
0x64: {  	v3 =	vsub.s32 v3, v0  }
0x65: {  	vm12 =	vgt.s32 v3, $0x0  }
0x66: {  	vm13 =	vlt.u32 v3, $0xC80;
	v3 =	vnsel vm12, $0x0, v3  }
0x67: {  	v3 =	vmin.u32 v3, $0xC7F;
	_ =	sdelay $0x4  }
0x68: {  	[tilespmem:v3+s4+$0x0] =	vst.idx.msk vm13, v2  }
0x69: {  	v3 =	vld [tilespmem:$0xD70];
	_ =	sdelay $0x4  }
0x6a: {  	v3 =	vsub.s32 v3, v0  }
0x6b: {  	vm14 =	vgt.s32 v3, $0x0  }
0x6c: {  	vm15 =	vlt.u32 v3, $0xC80;
	v3 =	vnsel vm14, $0x0, v3  }
0x6d: {  	v3 =	vmin.u32 v3, $0xC7F;
	_ =	sdelay $0x2  }
0x6e: {  	s10 =	sadd.s32 $0x1, s10  }
0x6f: {  	p1 =	sne.s32 s10, s6  }
.Ltmp1:
0x70: {  	[tilespmem:v3+s4+$0x0] =	vst.idx.msk vm15, v2;
	(pc) =	sbr.rel @!p1 .LBB2_9-.Ltmp1, $4  }
0x71: {  	[hbm4b:s5+s4] =	stream.linear.scatter [tilespmem:s4], [sflag:$0x2], $0xC80, $0x38;
	[tilespmem:$0xD80] =	vst v63  }
0x72: {  	_ =	swait.ge [sflag:s9], $0xC80  }
0x73: {  	[sflag:s9] =	ssyncset.done $0x0  }
0x74: {  	[sflag:s9] =	ssyncadd.s32 $0xFFFFF380  }
.LBB2_1:
.Ltmp2:
0x75: {  	(pc) =	sbr.rel @!p0 .LBB2_2-.Ltmp2, $3  }
0x76: {  	_ =	sdelay $0x1  }
0x77: {  	[tilespmem:s7], [sflag:$0x1] =	stream.linear.gather [hbm4b:s2+s4], $0x100, $0x38;
	[tilespmem:$0xD80] =	vst v63  }
0x78: {  	s11 =	simm.s32 $0x20  }
0x79: {  	s12 =	sadd.s32 s4, s3  }
0x7a: {  	s13 =	sadd.s32 $0x30, s12  }
0x7b: {  	s14 =	sadd.s32 $0x10, s12;
	p1 =	slt.u32 s13, $0x186A0  }
0x7c: {  	s31 =	sadd.s32 $0x20, s12;
	p2 =	slt.u32 s14, $0x186A0;
	v3 =	vpsel !p1, $0x0, v1  }
0x7d: {  	p3 =	slt.u32 s12, $0x186A0;
	p6 =	slt.u32 s31, $0x186A0;
	v5 =	vpsel !p2, $0x0, v1;
	[tilespmem:s11+$0x10] =	vst v3  }
0x7e: {  	s12 =	sadd.s32 $0x40, s4;
	v4 =	vpsel !p6, $0x0, v1;
	v3 =	vpsel !p3, $0x0, v1;
	[tilespmem:s11+$0xFFFFFFF0] =	vst v5  }
.LBB2_6:
0x7f: {  	s13 =	sadd.s32 s12, s3  }
0x80: {  	p1 =	sne.s32 s12, $0xC40;
	s12 =	sadd.s32 $0x40, s12;
	[tilespmem:s11+$0x0] =	vst v4;
	s14 =	sadd.s32 $0x10, s13  }
.Ltmp3:
0x81: {  	s15 =	sadd.s32 $0x20, s13;
	s16 =	sadd.s32 $0x30, s13;
	[tilespmem:s11+$0xFFFFFFE0] =	vst v3;
	(pc) =	sbr.rel @p1 .LBB2_6-.Ltmp3, $4  }
0x82: {  	p2 =	slt.u32 s14, $0x186A0;
	p3 =	slt.u32 s15, $0x186A0;
	p4 =	slt.u32 s16, $0x186A0  }
0x83: {  	p5 =	slt.u32 s13, $0x186A0;
	s11 =	sadd.s32 $0x40, s11;
	v5 =	vpsel !p2, $0x0, v1;
	v4 =	vpsel !p3, $0x0, v1;
	v6 =	vpsel !p4, $0x0, v1  }
0x84: {  	v3 =	vpsel !p5, $0x0, v1;
	[tilespmem:s11+$0x10] =	vst v6  }
0x85: {  	[tilespmem:s11+$0xFFFFFFF0] =	vst v5  }
.Ltmp4:
0x86: {  	_ = 	snop;
	(pc) =	sbr.rel .LBB2_7-.Ltmp4, $1  }
0x87: {  	_ =	sdelay $0x3  }
.LBB2_2:
0x88: {  	s12 =	simm.s32 $0x100;
	s11 =	simm.s32 $0x0  }
.LBB2_3:
0x89: {  	p1 =	seq.s32 s12, $0x3100;
	[tilespmem:s11+$0x30] =	vst v1;
	s13 =	smov.u32 s12;
	s12 =	sadd.s32 $0x100, s12  }
.Ltmp5:
0x8a: {  	[tilespmem:s11+$0x20] =	vst v1;
	(pc) =	sbr.rel @!p1 .LBB2_3-.Ltmp5, $3  }
0x8b: {  	[tilespmem:s11+$0x0] =	vst v1  }
0x8c: {  	[tilespmem:s11+$0x10] =	vst v1;
	_ =	sdelay $0x1  }
0x8d: {  	s11 =	sshra.s32 s13, $0x2  }
.Ltmp6:
0x8e: {  	(pc) =	sbr.rel .LBB2_8-.Ltmp6, $4  }
0x8f: {  	[tilespmem:s11+$0x30] =	vst v1  }
0x90: {  	[tilespmem:s11+$0x20] =	vst v1  }
0x91: {  	[tilespmem:s11+$0x0] =	vst v1  }
0x92: {  	[tilespmem:s11+$0x10] =	vst v1  }
.LBB2_9:
0x93: {  	_ =	sfence.sel $0x180000  }
0x94: {  	[bflag:$0x0] =	sbarrier.arrive $0xFFFF  }
0x95: {  	p0 =	sne.s32 s0, $0x0;
	_ =	strace $0x90000047  }
0x96: {  	s0 =	sadd.s32 @!p0 $0x100000, s1;
	[bflag:$0x2] =	sbarrier.arrive $0xFFFF  }
0x97: {  	[sflag:s0] =	ssyncadd.tile.s32 @!p0 $0x1;
	_ =	shalt  }
.Lfunc_end2:
_tile_overlayer_lowered:
.L_overlay_start_2:
0x98: {  	(tag) =	ssettag $0x2  }
0x99: {  	s0 =	rddreg [dreg:$0x0];
	s2 =	stileid.u32  }
0x9a: {  	s1 =	rddreg [dreg:$0x1];
	p0 =	sne.s32 s2, $0x0  }
0x9b: {  	s3 =	rddreg [dreg:$0x2];
	[bflag:$0x3] =	sbarrier.arrive $0xFFFF;
	s2 =	simm.s32 @!p0 $0x1C02  }
0x9c: {  	[timem:s3], [sflag:s2] =	dma.local @!p0 [hbm:s0], s1  }
0x9d: {  	s0 =	simm.s32 @!p0 $0x2  }
0x9e: {  	_ =	swait.ge @!p0 [sflag:s0], s1  }
0x9f: {  	s1 =	ssub.s32 @!p0 $0x0, s1;
	[sflag:s0] =	ssyncset.done @!p0 $0x0  }
0xa0: {  	[sflag:s0] =	ssyncadd.s32 @!p0 s1  }
0xa1: {  	[bflag:$0x3] =	sbarrier.arrive $0xFFFF  }
0xa2: {  	_ =	shalt  }

</sc_bundles>
